<compile_context>
chip_gen: v7x
topology: tpu7x:2x2x1
jax: 0.10.2.dev20260603
libtpu: 0.0.44.dev20260713+nightly
codegen_flags: <defaults>
</compile_context>

<pallas_src>
import functools

import jax
import jax.numpy as jnp
from jax import lax
from jax.experimental import pallas as pl
from jax.experimental.pallas import tpu as pltpu
from jax.experimental.pallas import tpu_sc as plsc

B = 16384
EMB = 16
HID = 32
PACK = 8
PW = PACK * EMB
NC = 2
NS = 16
NW = NC * NS
BPW = B // NW
CH = 128
NCH = BPW // CH
VREG = 16


def _sc_gather(user, quiz, utab_p, qtab_p):
    mesh = plsc.VectorSubcoreMesh(core_axis_name="c", subcore_axis_name="s")

    @functools.partial(
        pl.kernel,
        mesh=mesh,
        out_type=[
            jax.ShapeDtypeStruct((B, PW), jnp.float32),
            jax.ShapeDtypeStruct((B, PW), jnp.float32),
        ],
        scratch_types=[
            pltpu.VMEM((NCH, CH), jnp.int32),
            pltpu.VMEM((NCH, CH), jnp.int32),
            pltpu.VMEM((2, CH, PW), jnp.float32),
            pltpu.VMEM((2, CH, PW), jnp.float32),
            pltpu.SemaphoreType.DMA,
            pltpu.SemaphoreType.DMA,
        ],
    )
    def k(user_hbm, quiz_hbm, utab_hbm, qtab_hbm, uout_hbm, qout_hbm,
          uidx_v, qidx_v, ubuf, qbuf, usem, qsem):
        wid = lax.axis_index("s") * NC + lax.axis_index("c")
        base = wid * BPW
        for j in range(NCH):
            pltpu.sync_copy(user_hbm.at[pl.ds(base + j * CH, CH)], uidx_v.at[j])
            pltpu.sync_copy(quiz_hbm.at[pl.ds(base + j * CH, CH)], qidx_v.at[j])
        for j in range(NCH):
            for v in range(CH // VREG):
                s = pl.ds(v * VREG, VREG)
                uidx_v[j, s] = uidx_v[j, s] >> 3
                qidx_v[j, s] = qidx_v[j, s] >> 3

        def gstart(j):
            return (
                pltpu.async_copy(utab_hbm.at[uidx_v.at[j]], ubuf.at[j % 2], usem),
                pltpu.async_copy(qtab_hbm.at[qidx_v.at[j]], qbuf.at[j % 2], qsem),
            )

        gc = {0: gstart(0)}
        for j in range(NCH):
            if j + 1 < NCH:
                gc[j + 1] = gstart(j + 1)
            uc, qc = gc[j]
            uc.wait()
            qc.wait()
            pltpu.sync_copy(ubuf.at[j % 2], uout_hbm.at[pl.ds(base + j * CH, CH)])
            pltpu.sync_copy(qbuf.at[j % 2], qout_hbm.at[pl.ds(base + j * CH, CH)])

    return k(user, quiz, utab_p, qtab_p)


def _mlp_body(up_ref, qp_ref, uid_ref, qid_ref, t_ref, w1u_ref, w1q_ref,
              w1t_ref, b1_ref, w2_ref, b2_ref, o_ref):
    lane = lax.broadcasted_iota(jnp.int32, (up_ref.shape[0], PW), 1)
    grp = lane >> 4
    um = jnp.where(grp == (uid_ref[...] & 7), up_ref[...], 0.0)
    qm = jnp.where(grp == (qid_ref[...] & 7), qp_ref[...], 0.0)
    x = (jnp.dot(um, w1u_ref[...], preferred_element_type=jnp.float32)
         + jnp.dot(qm, w1q_ref[...], preferred_element_type=jnp.float32)
         + t_ref[...] * w1t_ref[...]
         + b1_ref[...])
    h = jnp.maximum(x, 0.0)
    z = jnp.dot(h, w2_ref[...], preferred_element_type=jnp.float32) + b2_ref[...]
    o_ref[...] = 1.0 / (1.0 + jnp.exp(-z))


def _mlp(up, qp, uid, qid, time, W1, b1, W2, b2):
    RB = 2048
    grid = (B // RB,)
    W1u = jnp.tile(W1[:EMB], (PACK, 1))
    W1q = jnp.tile(W1[EMB:2 * EMB], (PACK, 1))
    w1t = W1[2 * EMB:]
    out = pl.pallas_call(
        _mlp_body,
        grid=grid,
        in_specs=[
            pl.BlockSpec((RB, PW), lambda i: (i, 0)),
            pl.BlockSpec((RB, PW), lambda i: (i, 0)),
            pl.BlockSpec((RB, 1), lambda i: (i, 0)),
            pl.BlockSpec((RB, 1), lambda i: (i, 0)),
            pl.BlockSpec((RB, 1), lambda i: (i, 0)),
            pl.BlockSpec((PW, HID), lambda i: (0, 0)),
            pl.BlockSpec((PW, HID), lambda i: (0, 0)),
            pl.BlockSpec((1, HID), lambda i: (0, 0)),
            pl.BlockSpec((1, HID), lambda i: (0, 0)),
            pl.BlockSpec((HID, 1), lambda i: (0, 0)),
            pl.BlockSpec((1, 1), lambda i: (0, 0)),
        ],
        out_specs=pl.BlockSpec((RB, 1), lambda i: (i, 0)),
        out_shape=jax.ShapeDtypeStruct((B, 1), jnp.float32),
    )(up, qp, uid, qid, time, W1u, W1q, w1t, b1.reshape(1, HID), W2,
      b2.reshape(1, 1))
    return out.reshape(B)


def kernel(user, quiz, time, user_table, quiz_table, W1, b1, W2, b2):
    uid = user.astype(jnp.int32)
    qid = quiz.astype(jnp.int32)
    utab_p = user_table.reshape(-1, PW)
    qtab_p = quiz_table.reshape(-1, PW)
    up, qp = _sc_gather(uid, qid, utab_p, qtab_p)
    return _mlp(up, qp, uid.reshape(B, 1), qid.reshape(B, 1), time,
                W1, b1, W2, b2)

# --- scband reference (transcript-rebuilt; emitter-appended) ---
"""Pipeline reference for scband-quiz-rec-model-19808389169930 (READ-ONLY COPY).

The authoritative reference and input builder live on the scoring server;
editing this copy changes nothing except your own understanding.
"""

import jax, jax.numpy as jnp
import numpy as np

B = 16384
N_USERS = 1000000
N_QUIZZES = 100000
EMB = 16
HID = 32

def setup_inputs(seed: int = 0) -> dict:
    key = jax.random.key(seed)
    ks = jax.random.split(key, 9)
    user = jax.random.randint(ks[0], (B,), 0, N_USERS, dtype=jnp.int64) if jax.config.jax_enable_x64 else jax.random.randint(ks[0], (B,), 0, N_USERS, dtype=jnp.int32)
    quiz = jax.random.randint(ks[1], (B,), 0, N_QUIZZES, dtype=jnp.int32)
    time = jax.random.uniform(ks[2], (B, 1), dtype=jnp.float32)
    user_table = jax.random.normal(ks[3], (N_USERS, EMB), dtype=jnp.float32)
    quiz_table = jax.random.normal(ks[4], (N_QUIZZES, EMB), dtype=jnp.float32)
    lim1 = 1.0 / np.sqrt(EMB * 2 + 1)
    W1 = jax.random.uniform(ks[5], (EMB * 2 + 1, HID), minval=-lim1, maxval=lim1, dtype=jnp.float32)
    b1 = jax.random.uniform(ks[6], (HID,), minval=-lim1, maxval=lim1, dtype=jnp.float32)
    lim2 = 1.0 / np.sqrt(HID)
    W2 = jax.random.uniform(ks[7], (HID, 1), minval=-lim2, maxval=lim2, dtype=jnp.float32)
    b2 = jax.random.uniform(ks[8], (1,), minval=-lim2, maxval=lim2, dtype=jnp.float32)
    return {"user": user, "quiz": quiz, "time": time, "user_table": user_table, "quiz_table": quiz_table, "W1": W1, "b1": b1, "W2": W2, "b2": b2}

def reference(user, quiz, time, user_table, quiz_table, W1, b1, W2, b2):
    u = jnp.take(user_table, user, axis=0)
    q = jnp.take(quiz_table, quiz, axis=0)
    x = jnp.concatenate([u, q, time], axis=1)
    h = jax.nn.relu(x @ W1 + b1)
    out = jax.nn.sigmoid(h @ W2 + b2)
    return jnp.squeeze(out, axis=1)

if __name__ == "__main__":
    import jax
    _d = setup_inputs()
    print(jax.jit(kernel)(*tuple(_d.values())))

</pallas_src>

<mosaic_0001>
#map = affine_map<(d0, d1) -> (0)>
#map1 = affine_map<(d0, d1) -> (0, 0)>
module attributes {stable_mosaic.version = 14 : i64} {
  func.func @k(%arg0: i32, %arg1: i32, %arg2: memref<16384xi32, #tpu.memory_space<hbm>>, %arg3: memref<16384xi32, #tpu.memory_space<hbm>>, %arg4: memref<125000x128xf32, #tpu.memory_space<hbm>>, %arg5: memref<12500x128xf32, #tpu.memory_space<hbm>>, %arg6: memref<16384x128xf32, #tpu.memory_space<hbm>>, %arg7: memref<16384x128xf32, #tpu.memory_space<hbm>>, %arg8: memref<4x128xi32, #tpu.memory_space<vmem>>, %arg9: memref<4x128xi32, #tpu.memory_space<vmem>>, %arg10: memref<2x128x128xf32, #tpu.memory_space<vmem>>, %arg11: memref<2x128x128xf32, #tpu.memory_space<vmem>>, %arg12: memref<!tpu.dma_semaphore, #tpu.memory_space<semaphore_mem>>, %arg13: memref<!tpu.dma_semaphore, #tpu.memory_space<semaphore_mem>>) attributes {dimension_semantics = [#tpu.dimension_semantics<core_parallel>, #tpu.dimension_semantics<subcore_parallel>], iteration_bounds = array<i64: 2, 16>, scalar_prefetch = 0 : i64, scratch_operands = 6 : i64, tpu.core_type = #tpu.core_type<sc_vector_subcore>, window_params = [{transform_indices = #map}, {transform_indices = #map}, {transform_indices = #map1}, {transform_indices = #map1}, {transform_indices = #map1}, {transform_indices = #map1}]} {
    %mul3A = arith.constant 2 : i32
    %mul3A_0 = arith.muli %arg1, %mul3A : i32
    %add3A = arith.addi %mul3A_0, %arg0 : i32
    %mul3A_1 = arith.constant 512 : i32
    %mul3A_2 = arith.muli %add3A, %mul3A_1 : i32
    %add3A_3 = arith.constant 0 : i32
    %add3A_4 = arith.addi %mul3A_2, %add3A_3 : i32
    %run_scoped3A = arith.constant 0 : i32
    "tpu.region"() ({
      %run_scoped3A_1133 = tpu.sem_alloc : memref<!tpu.dma_semaphore, #tpu.memory_space<semaphore_mem>>
      %dma_start3A_1134 = arith.constant 0 : i32
      %dma_start3A_1135 = tpu.memref_slice %arg8[%run_scoped3A, %dma_start3A_1134] : memref<4x128xi32, #tpu.memory_space<vmem>> -> memref<1x128xi32, #tpu.memory_space<vmem>>
      %dma_start3A_1136 = tpu.memref_squeeze %dma_start3A_1135 : memref<1x128xi32, #tpu.memory_space<vmem>> -> memref<128xi32, #tpu.memory_space<vmem>>
      %dma_start3A_1137 = tpu.memref_slice %arg2[%add3A_4] : memref<16384xi32, #tpu.memory_space<hbm>> -> memref<128xi32, #tpu.memory_space<hbm>>
      %dma_start3A_1138 = arith.constant 0 : i32
      %dma_start3A_1139 = tpu.memref_slice %arg8[%run_scoped3A, %dma_start3A_1138] : memref<4x128xi32, #tpu.memory_space<vmem>> -> memref<1x128xi32, #tpu.memory_space<vmem>>
      %dma_start3A_1140 = tpu.memref_squeeze %dma_start3A_1139 : memref<1x128xi32, #tpu.memory_space<vmem>> -> memref<128xi32, #tpu.memory_space<vmem>>
      %dma_start3A_1141 = tpu.memref_slice %arg2[%add3A_4] : memref<16384xi32, #tpu.memory_space<hbm>> -> memref<128xi32, #tpu.memory_space<hbm>>
      tpu.enqueue_dma source(%dma_start3A_1141 : memref<128xi32, #tpu.memory_space<hbm>>) target(%dma_start3A_1140 : memref<128xi32, #tpu.memory_space<vmem>>) target_semaphore(%run_scoped3A_1133 : memref<!tpu.dma_semaphore, #tpu.memory_space<semaphore_mem>>)
      %dma_wait3A_1142 = arith.constant 0 : i32
      %dma_wait3A_1143 = tpu.memref_slice %arg8[%run_scoped3A, %dma_wait3A_1142] : memref<4x128xi32, #tpu.memory_space<vmem>> -> memref<1x128xi32, #tpu.memory_space<vmem>>
      %dma_wait3A_1144 = tpu.memref_squeeze %dma_wait3A_1143 : memref<1x128xi32, #tpu.memory_space<vmem>> -> memref<128xi32, #tpu.memory_space<vmem>>
      %dma_wait3A_1145 = tpu.memref_slice %arg2[%add3A_4] : memref<16384xi32, #tpu.memory_space<hbm>> -> memref<128xi32, #tpu.memory_space<hbm>>
      %dma_wait3A_1146 = arith.constant 0 : i32
      %dma_wait3A_1147 = tpu.memref_slice %arg8[%run_scoped3A, %dma_wait3A_1146] : memref<4x128xi32, #tpu.memory_space<vmem>> -> memref<1x128xi32, #tpu.memory_space<vmem>>
      %dma_wait3A_1148 = tpu.memref_squeeze %dma_wait3A_1147 : memref<1x128xi32, #tpu.memory_space<vmem>> -> memref<128xi32, #tpu.memory_space<vmem>>
      %dma_wait3A_1149 = tpu.memref_slice %arg2[%add3A_4] : memref<16384xi32, #tpu.memory_space<hbm>> -> memref<128xi32, #tpu.memory_space<hbm>>
      tpu.wait_dma2 semaphore(%run_scoped3A_1133 : memref<!tpu.dma_semaphore, #tpu.memory_space<semaphore_mem>>) src(%dma_wait3A_1149 : memref<128xi32, #tpu.memory_space<hbm>>) dst(%dma_wait3A_1148 : memref<128xi32, #tpu.memory_space<vmem>>)
      tpu.yield
    }) : () -> ()
    %add3A_5 = arith.constant 0 : i32
    %add3A_6 = arith.addi %mul3A_2, %add3A_5 : i32
    %run_scoped3A_7 = arith.constant 0 : i32
    "tpu.region"() ({
      %run_scoped3A_1133 = tpu.sem_alloc : memref<!tpu.dma_semaphore, #tpu.memory_space<semaphore_mem>>
      %dma_start3A_1134 = arith.constant 0 : i32
      %dma_start3A_1135 = tpu.memref_slice %arg9[%run_scoped3A_7, %dma_start3A_1134] : memref<4x128xi32, #tpu.memory_space<vmem>> -> memref<1x128xi32, #tpu.memory_space<vmem>>
      %dma_start3A_1136 = tpu.memref_squeeze %dma_start3A_1135 : memref<1x128xi32, #tpu.memory_space<vmem>> -> memref<128xi32, #tpu.memory_space<vmem>>
      %dma_start3A_1137 = tpu.memref_slice %arg3[%add3A_6] : memref<16384xi32, #tpu.memory_space<hbm>> -> memref<128xi32, #tpu.memory_space<hbm>>
      %dma_start3A_1138 = arith.constant 0 : i32
      %dma_start3A_1139 = tpu.memref_slice %arg9[%run_scoped3A_7, %dma_start3A_1138] : memref<4x128xi32, #tpu.memory_space<vmem>> -> memref<1x128xi32, #tpu.memory_space<vmem>>
      %dma_start3A_1140 = tpu.memref_squeeze %dma_start3A_1139 : memref<1x128xi32, #tpu.memory_space<vmem>> -> memref<128xi32, #tpu.memory_space<vmem>>
      %dma_start3A_1141 = tpu.memref_slice %arg3[%add3A_6] : memref<16384xi32, #tpu.memory_space<hbm>> -> memref<128xi32, #tpu.memory_space<hbm>>
      tpu.enqueue_dma source(%dma_start3A_1141 : memref<128xi32, #tpu.memory_space<hbm>>) target(%dma_start3A_1140 : memref<128xi32, #tpu.memory_space<vmem>>) target_semaphore(%run_scoped3A_1133 : memref<!tpu.dma_semaphore, #tpu.memory_space<semaphore_mem>>)
      %dma_wait3A_1142 = arith.constant 0 : i32
      %dma_wait3A_1143 = tpu.memref_slice %arg9[%run_scoped3A_7, %dma_wait3A_1142] : memref<4x128xi32, #tpu.memory_space<vmem>> -> memref<1x128xi32, #tpu.memory_space<vmem>>
      %dma_wait3A_1144 = tpu.memref_squeeze %dma_wait3A_1143 : memref<1x128xi32, #tpu.memory_space<vmem>> -> memref<128xi32, #tpu.memory_space<vmem>>
      %dma_wait3A_1145 = tpu.memref_slice %arg3[%add3A_6] : memref<16384xi32, #tpu.memory_space<hbm>> -> memref<128xi32, #tpu.memory_space<hbm>>
      %dma_wait3A_1146 = arith.constant 0 : i32
      %dma_wait3A_1147 = tpu.memref_slice %arg9[%run_scoped3A_7, %dma_wait3A_1146] : memref<4x128xi32, #tpu.memory_space<vmem>> -> memref<1x128xi32, #tpu.memory_space<vmem>>
      %dma_wait3A_1148 = tpu.memref_squeeze %dma_wait3A_1147 : memref<1x128xi32, #tpu.memory_space<vmem>> -> memref<128xi32, #tpu.memory_space<vmem>>
      %dma_wait3A_1149 = tpu.memref_slice %arg3[%add3A_6] : memref<16384xi32, #tpu.memory_space<hbm>> -> memref<128xi32, #tpu.memory_space<hbm>>
      tpu.wait_dma2 semaphore(%run_scoped3A_1133 : memref<!tpu.dma_semaphore, #tpu.memory_space<semaphore_mem>>) src(%dma_wait3A_1149 : memref<128xi32, #tpu.memory_space<hbm>>) dst(%dma_wait3A_1148 : memref<128xi32, #tpu.memory_space<vmem>>)
      tpu.yield
    }) : () -> ()
    %add3A_8 = arith.constant 128 : i32
    %add3A_9 = arith.addi %mul3A_2, %add3A_8 : i32
    %run_scoped3A_10 = arith.constant 1 : i32
    "tpu.region"() ({
      %run_scoped3A_1133 = tpu.sem_alloc : memref<!tpu.dma_semaphore, #tpu.memory_space<semaphore_mem>>
      %dma_start3A_1134 = arith.constant 0 : i32
      %dma_start3A_1135 = tpu.memref_slice %arg8[%run_scoped3A_10, %dma_start3A_1134] : memref<4x128xi32, #tpu.memory_space<vmem>> -> memref<1x128xi32, #tpu.memory_space<vmem>>
      %dma_start3A_1136 = tpu.memref_squeeze %dma_start3A_1135 : memref<1x128xi32, #tpu.memory_space<vmem>> -> memref<128xi32, #tpu.memory_space<vmem>>
      %dma_start3A_1137 = tpu.memref_slice %arg2[%add3A_9] : memref<16384xi32, #tpu.memory_space<hbm>> -> memref<128xi32, #tpu.memory_space<hbm>>
      %dma_start3A_1138 = arith.constant 0 : i32
      %dma_start3A_1139 = tpu.memref_slice %arg8[%run_scoped3A_10, %dma_start3A_1138] : memref<4x128xi32, #tpu.memory_space<vmem>> -> memref<1x128xi32, #tpu.memory_space<vmem>>
      %dma_start3A_1140 = tpu.memref_squeeze %dma_start3A_1139 : memref<1x128xi32, #tpu.memory_space<vmem>> -> memref<128xi32, #tpu.memory_space<vmem>>
      %dma_start3A_1141 = tpu.memref_slice %arg2[%add3A_9] : memref<16384xi32, #tpu.memory_space<hbm>> -> memref<128xi32, #tpu.memory_space<hbm>>
      tpu.enqueue_dma source(%dma_start3A_1141 : memref<128xi32, #tpu.memory_space<hbm>>) target(%dma_start3A_1140 : memref<128xi32, #tpu.memory_space<vmem>>) target_semaphore(%run_scoped3A_1133 : memref<!tpu.dma_semaphore, #tpu.memory_space<semaphore_mem>>)
      %dma_wait3A_1142 = arith.constant 0 : i32
      %dma_wait3A_1143 = tpu.memref_slice %arg8[%run_scoped3A_10, %dma_wait3A_1142] : memref<4x128xi32, #tpu.memory_space<vmem>> -> memref<1x128xi32, #tpu.memory_space<vmem>>
      %dma_wait3A_1144 = tpu.memref_squeeze %dma_wait3A_1143 : memref<1x128xi32, #tpu.memory_space<vmem>> -> memref<128xi32, #tpu.memory_space<vmem>>
      %dma_wait3A_1145 = tpu.memref_slice %arg2[%add3A_9] : memref<16384xi32, #tpu.memory_space<hbm>> -> memref<128xi32, #tpu.memory_space<hbm>>
      %dma_wait3A_1146 = arith.constant 0 : i32
      %dma_wait3A_1147 = tpu.memref_slice %arg8[%run_scoped3A_10, %dma_wait3A_1146] : memref<4x128xi32, #tpu.memory_space<vmem>> -> memref<1x128xi32, #tpu.memory_space<vmem>>
      %dma_wait3A_1148 = tpu.memref_squeeze %dma_wait3A_1147 : memref<1x128xi32, #tpu.memory_space<vmem>> -> memref<128xi32, #tpu.memory_space<vmem>>
      %dma_wait3A_1149 = tpu.memref_slice %arg2[%add3A_9] : memref<16384xi32, #tpu.memory_space<hbm>> -> memref<128xi32, #tpu.memory_space<hbm>>
      tpu.wait_dma2 semaphore(%run_scoped3A_1133 : memref<!tpu.dma_semaphore, #tpu.memory_space<semaphore_mem>>) src(%dma_wait3A_1149 : memref<128xi32, #tpu.memory_space<hbm>>) dst(%dma_wait3A_1148 : memref<128xi32, #tpu.memory_space<vmem>>)
      tpu.yield
    }) : () -> ()
    %add3A_11 = arith.constant 128 : i32
    %add3A_12 = arith.addi %mul3A_2, %add3A_11 : i32
    %run_scoped3A_13 = arith.constant 1 : i32
    "tpu.region"() ({
      %run_scoped3A_1133 = tpu.sem_alloc : memref<!tpu.dma_semaphore, #tpu.memory_space<semaphore_mem>>
      %dma_start3A_1134 = arith.constant 0 : i32
      %dma_start3A_1135 = tpu.memref_slice %arg9[%run_scoped3A_13, %dma_start3A_1134] : memref<4x128xi32, #tpu.memory_space<vmem>> -> memref<1x128xi32, #tpu.memory_space<vmem>>
      %dma_start3A_1136 = tpu.memref_squeeze %dma_start3A_1135 : memref<1x128xi32, #tpu.memory_space<vmem>> -> memref<128xi32, #tpu.memory_space<vmem>>
      %dma_start3A_1137 = tpu.memref_slice %arg3[%add3A_12] : memref<16384xi32, #tpu.memory_space<hbm>> -> memref<128xi32, #tpu.memory_space<hbm>>
      %dma_start3A_1138 = arith.constant 0 : i32
      %dma_start3A_1139 = tpu.memref_slice %arg9[%run_scoped3A_13, %dma_start3A_1138] : memref<4x128xi32, #tpu.memory_space<vmem>> -> memref<1x128xi32, #tpu.memory_space<vmem>>
      %dma_start3A_1140 = tpu.memref_squeeze %dma_start3A_1139 : memref<1x128xi32, #tpu.memory_space<vmem>> -> memref<128xi32, #tpu.memory_space<vmem>>
      %dma_start3A_1141 = tpu.memref_slice %arg3[%add3A_12] : memref<16384xi32, #tpu.memory_space<hbm>> -> memref<128xi32, #tpu.memory_space<hbm>>
      tpu.enqueue_dma source(%dma_start3A_1141 : memref<128xi32, #tpu.memory_space<hbm>>) target(%dma_start3A_1140 : memref<128xi32, #tpu.memory_space<vmem>>) target_semaphore(%run_scoped3A_1133 : memref<!tpu.dma_semaphore, #tpu.memory_space<semaphore_mem>>)
      %dma_wait3A_1142 = arith.constant 0 : i32
      %dma_wait3A_1143 = tpu.memref_slice %arg9[%run_scoped3A_13, %dma_wait3A_1142] : memref<4x128xi32, #tpu.memory_space<vmem>> -> memref<1x128xi32, #tpu.memory_space<vmem>>
      %dma_wait3A_1144 = tpu.memref_squeeze %dma_wait3A_1143 : memref<1x128xi32, #tpu.memory_space<vmem>> -> memref<128xi32, #tpu.memory_space<vmem>>
      %dma_wait3A_1145 = tpu.memref_slice %arg3[%add3A_12] : memref<16384xi32, #tpu.memory_space<hbm>> -> memref<128xi32, #tpu.memory_space<hbm>>
      %dma_wait3A_1146 = arith.constant 0 : i32
      %dma_wait3A_1147 = tpu.memref_slice %arg9[%run_scoped3A_13, %dma_wait3A_1146] : memref<4x128xi32, #tpu.memory_space<vmem>> -> memref<1x128xi32, #tpu.memory_space<vmem>>
      %dma_wait3A_1148 = tpu.memref_squeeze %dma_wait3A_1147 : memref<1x128xi32, #tpu.memory_space<vmem>> -> memref<128xi32, #tpu.memory_space<vmem>>
      %dma_wait3A_1149 = tpu.memref_slice %arg3[%add3A_12] : memref<16384xi32, #tpu.memory_space<hbm>> -> memref<128xi32, #tpu.memory_space<hbm>>
      tpu.wait_dma2 semaphore(%run_scoped3A_1133 : memref<!tpu.dma_semaphore, #tpu.memory_space<semaphore_mem>>) src(%dma_wait3A_1149 : memref<128xi32, #tpu.memory_space<hbm>>) dst(%dma_wait3A_1148 : memref<128xi32, #tpu.memory_space<vmem>>)
      tpu.yield
    }) : () -> ()
    %add3A_14 = arith.constant 256 : i32
    %add3A_15 = arith.addi %mul3A_2, %add3A_14 : i32
    %run_scoped3A_16 = arith.constant 2 : i32
    "tpu.region"() ({
      %run_scoped3A_1133 = tpu.sem_alloc : memref<!tpu.dma_semaphore, #tpu.memory_space<semaphore_mem>>
      %dma_start3A_1134 = arith.constant 0 : i32
      %dma_start3A_1135 = tpu.memref_slice %arg8[%run_scoped3A_16, %dma_start3A_1134] : memref<4x128xi32, #tpu.memory_space<vmem>> -> memref<1x128xi32, #tpu.memory_space<vmem>>
      %dma_start3A_1136 = tpu.memref_squeeze %dma_start3A_1135 : memref<1x128xi32, #tpu.memory_space<vmem>> -> memref<128xi32, #tpu.memory_space<vmem>>
      %dma_start3A_1137 = tpu.memref_slice %arg2[%add3A_15] : memref<16384xi32, #tpu.memory_space<hbm>> -> memref<128xi32, #tpu.memory_space<hbm>>
      %dma_start3A_1138 = arith.constant 0 : i32
      %dma_start3A_1139 = tpu.memref_slice %arg8[%run_scoped3A_16, %dma_start3A_1138] : memref<4x128xi32, #tpu.memory_space<vmem>> -> memref<1x128xi32, #tpu.memory_space<vmem>>
      %dma_start3A_1140 = tpu.memref_squeeze %dma_start3A_1139 : memref<1x128xi32, #tpu.memory_space<vmem>> -> memref<128xi32, #tpu.memory_space<vmem>>
      %dma_start3A_1141 = tpu.memref_slice %arg2[%add3A_15] : memref<16384xi32, #tpu.memory_space<hbm>> -> memref<128xi32, #tpu.memory_space<hbm>>
      tpu.enqueue_dma source(%dma_start3A_1141 : memref<128xi32, #tpu.memory_space<hbm>>) target(%dma_start3A_1140 : memref<128xi32, #tpu.memory_space<vmem>>) target_semaphore(%run_scoped3A_1133 : memref<!tpu.dma_semaphore, #tpu.memory_space<semaphore_mem>>)
      %dma_wait3A_1142 = arith.constant 0 : i32
      %dma_wait3A_1143 = tpu.memref_slice %arg8[%run_scoped3A_16, %dma_wait3A_1142] : memref<4x128xi32, #tpu.memory_space<vmem>> -> memref<1x128xi32, #tpu.memory_space<vmem>>
      %dma_wait3A_1144 = tpu.memref_squeeze %dma_wait3A_1143 : memref<1x128xi32, #tpu.memory_space<vmem>> -> memref<128xi32, #tpu.memory_space<vmem>>
      %dma_wait3A_1145 = tpu.memref_slice %arg2[%add3A_15] : memref<16384xi32, #tpu.memory_space<hbm>> -> memref<128xi32, #tpu.memory_space<hbm>>
      %dma_wait3A_1146 = arith.constant 0 : i32
      %dma_wait3A_1147 = tpu.memref_slice %arg8[%run_scoped3A_16, %dma_wait3A_1146] : memref<4x128xi32, #tpu.memory_space<vmem>> -> memref<1x128xi32, #tpu.memory_space<vmem>>
      %dma_wait3A_1148 = tpu.memref_squeeze %dma_wait3A_1147 : memref<1x128xi32, #tpu.memory_space<vmem>> -> memref<128xi32, #tpu.memory_space<vmem>>
      %dma_wait3A_1149 = tpu.memref_slice %arg2[%add3A_15] : memref<16384xi32, #tpu.memory_space<hbm>> -> memref<128xi32, #tpu.memory_space<hbm>>
      tpu.wait_dma2 semaphore(%run_scoped3A_1133 : memref<!tpu.dma_semaphore, #tpu.memory_space<semaphore_mem>>) src(%dma_wait3A_1149 : memref<128xi32, #tpu.memory_space<hbm>>) dst(%dma_wait3A_1148 : memref<128xi32, #tpu.memory_space<vmem>>)
      tpu.yield
    }) : () -> ()
    %add3A_17 = arith.constant 256 : i32
    %add3A_18 = arith.addi %mul3A_2, %add3A_17 : i32
    %run_scoped3A_19 = arith.constant 2 : i32
    "tpu.region"() ({
      %run_scoped3A_1133 = tpu.sem_alloc : memref<!tpu.dma_semaphore, #tpu.memory_space<semaphore_mem>>
      %dma_start3A_1134 = arith.constant 0 : i32
      %dma_start3A_1135 = tpu.memref_slice %arg9[%run_scoped3A_19, %dma_start3A_1134] : memref<4x128xi32, #tpu.memory_space<vmem>> -> memref<1x128xi32, #tpu.memory_space<vmem>>
      %dma_start3A_1136 = tpu.memref_squeeze %dma_start3A_1135 : memref<1x128xi32, #tpu.memory_space<vmem>> -> memref<128xi32, #tpu.memory_space<vmem>>
      %dma_start3A_1137 = tpu.memref_slice %arg3[%add3A_18] : memref<16384xi32, #tpu.memory_space<hbm>> -> memref<128xi32, #tpu.memory_space<hbm>>
      %dma_start3A_1138 = arith.constant 0 : i32
      %dma_start3A_1139 = tpu.memref_slice %arg9[%run_scoped3A_19, %dma_start3A_1138] : memref<4x128xi32, #tpu.memory_space<vmem>> -> memref<1x128xi32, #tpu.memory_space<vmem>>
      %dma_start3A_1140 = tpu.memref_squeeze %dma_start3A_1139 : memref<1x128xi32, #tpu.memory_space<vmem>> -> memref<128xi32, #tpu.memory_space<vmem>>
      %dma_start3A_1141 = tpu.memref_slice %arg3[%add3A_18] : memref<16384xi32, #tpu.memory_space<hbm>> -> memref<128xi32, #tpu.memory_space<hbm>>
      tpu.enqueue_dma source(%dma_start3A_1141 : memref<128xi32, #tpu.memory_space<hbm>>) target(%dma_start3A_1140 : memref<128xi32, #tpu.memory_space<vmem>>) target_semaphore(%run_scoped3A_1133 : memref<!tpu.dma_semaphore, #tpu.memory_space<semaphore_mem>>)
      %dma_wait3A_1142 = arith.constant 0 : i32
      %dma_wait3A_1143 = tpu.memref_slice %arg9[%run_scoped3A_19, %dma_wait3A_1142] : memref<4x128xi32, #tpu.memory_space<vmem>> -> memref<1x128xi32, #tpu.memory_space<vmem>>
      %dma_wait3A_1144 = tpu.memref_squeeze %dma_wait3A_1143 : memref<1x128xi32, #tpu.memory_space<vmem>> -> memref<128xi32, #tpu.memory_space<vmem>>
      %dma_wait3A_1145 = tpu.memref_slice %arg3[%add3A_18] : memref<16384xi32, #tpu.memory_space<hbm>> -> memref<128xi32, #tpu.memory_space<hbm>>
      %dma_wait3A_1146 = arith.constant 0 : i32
      %dma_wait3A_1147 = tpu.memref_slice %arg9[%run_scoped3A_19, %dma_wait3A_1146] : memref<4x128xi32, #tpu.memory_space<vmem>> -> memref<1x128xi32, #tpu.memory_space<vmem>>
      %dma_wait3A_1148 = tpu.memref_squeeze %dma_wait3A_1147 : memref<1x128xi32, #tpu.memory_space<vmem>> -> memref<128xi32, #tpu.memory_space<vmem>>
      %dma_wait3A_1149 = tpu.memref_slice %arg3[%add3A_18] : memref<16384xi32, #tpu.memory_space<hbm>> -> memref<128xi32, #tpu.memory_space<hbm>>
      tpu.wait_dma2 semaphore(%run_scoped3A_1133 : memref<!tpu.dma_semaphore, #tpu.memory_space<semaphore_mem>>) src(%dma_wait3A_1149 : memref<128xi32, #tpu.memory_space<hbm>>) dst(%dma_wait3A_1148 : memref<128xi32, #tpu.memory_space<vmem>>)
      tpu.yield
    }) : () -> ()
    %add3A_20 = arith.constant 384 : i32
    %add3A_21 = arith.addi %mul3A_2, %add3A_20 : i32
    %run_scoped3A_22 = arith.constant 3 : i32
    "tpu.region"() ({
      %run_scoped3A_1133 = tpu.sem_alloc : memref<!tpu.dma_semaphore, #tpu.memory_space<semaphore_mem>>
      %dma_start3A_1134 = arith.constant 0 : i32
      %dma_start3A_1135 = tpu.memref_slice %arg8[%run_scoped3A_22, %dma_start3A_1134] : memref<4x128xi32, #tpu.memory_space<vmem>> -> memref<1x128xi32, #tpu.memory_space<vmem>>
      %dma_start3A_1136 = tpu.memref_squeeze %dma_start3A_1135 : memref<1x128xi32, #tpu.memory_space<vmem>> -> memref<128xi32, #tpu.memory_space<vmem>>
      %dma_start3A_1137 = tpu.memref_slice %arg2[%add3A_21] : memref<16384xi32, #tpu.memory_space<hbm>> -> memref<128xi32, #tpu.memory_space<hbm>>
      %dma_start3A_1138 = arith.constant 0 : i32
      %dma_start3A_1139 = tpu.memref_slice %arg8[%run_scoped3A_22, %dma_start3A_1138] : memref<4x128xi32, #tpu.memory_space<vmem>> -> memref<1x128xi32, #tpu.memory_space<vmem>>
      %dma_start3A_1140 = tpu.memref_squeeze %dma_start3A_1139 : memref<1x128xi32, #tpu.memory_space<vmem>> -> memref<128xi32, #tpu.memory_space<vmem>>
      %dma_start3A_1141 = tpu.memref_slice %arg2[%add3A_21] : memref<16384xi32, #tpu.memory_space<hbm>> -> memref<128xi32, #tpu.memory_space<hbm>>
      tpu.enqueue_dma source(%dma_start3A_1141 : memref<128xi32, #tpu.memory_space<hbm>>) target(%dma_start3A_1140 : memref<128xi32, #tpu.memory_space<vmem>>) target_semaphore(%run_scoped3A_1133 : memref<!tpu.dma_semaphore, #tpu.memory_space<semaphore_mem>>)
      %dma_wait3A_1142 = arith.constant 0 : i32
      %dma_wait3A_1143 = tpu.memref_slice %arg8[%run_scoped3A_22, %dma_wait3A_1142] : memref<4x128xi32, #tpu.memory_space<vmem>> -> memref<1x128xi32, #tpu.memory_space<vmem>>
      %dma_wait3A_1144 = tpu.memref_squeeze %dma_wait3A_1143 : memref<1x128xi32, #tpu.memory_space<vmem>> -> memref<128xi32, #tpu.memory_space<vmem>>
      %dma_wait3A_1145 = tpu.memref_slice %arg2[%add3A_21] : memref<16384xi32, #tpu.memory_space<hbm>> -> memref<128xi32, #tpu.memory_space<hbm>>
      %dma_wait3A_1146 = arith.constant 0 : i32
      %dma_wait3A_1147 = tpu.memref_slice %arg8[%run_scoped3A_22, %dma_wait3A_1146] : memref<4x128xi32, #tpu.memory_space<vmem>> -> memref<1x128xi32, #tpu.memory_space<vmem>>
      %dma_wait3A_1148 = tpu.memref_squeeze %dma_wait3A_1147 : memref<1x128xi32, #tpu.memory_space<vmem>> -> memref<128xi32, #tpu.memory_space<vmem>>
      %dma_wait3A_1149 = tpu.memref_slice %arg2[%add3A_21] : memref<16384xi32, #tpu.memory_space<hbm>> -> memref<128xi32, #tpu.memory_space<hbm>>
      tpu.wait_dma2 semaphore(%run_scoped3A_1133 : memref<!tpu.dma_semaphore, #tpu.memory_space<semaphore_mem>>) src(%dma_wait3A_1149 : memref<128xi32, #tpu.memory_space<hbm>>) dst(%dma_wait3A_1148 : memref<128xi32, #tpu.memory_space<vmem>>)
      tpu.yield
    }) : () -> ()
    %add3A_23 = arith.constant 384 : i32
    %add3A_24 = arith.addi %mul3A_2, %add3A_23 : i32
    %run_scoped3A_25 = arith.constant 3 : i32
    "tpu.region"() ({
      %run_scoped3A_1133 = tpu.sem_alloc : memref<!tpu.dma_semaphore, #tpu.memory_space<semaphore_mem>>
      %dma_start3A_1134 = arith.constant 0 : i32
      %dma_start3A_1135 = tpu.memref_slice %arg9[%run_scoped3A_25, %dma_start3A_1134] : memref<4x128xi32, #tpu.memory_space<vmem>> -> memref<1x128xi32, #tpu.memory_space<vmem>>
      %dma_start3A_1136 = tpu.memref_squeeze %dma_start3A_1135 : memref<1x128xi32, #tpu.memory_space<vmem>> -> memref<128xi32, #tpu.memory_space<vmem>>
      %dma_start3A_1137 = tpu.memref_slice %arg3[%add3A_24] : memref<16384xi32, #tpu.memory_space<hbm>> -> memref<128xi32, #tpu.memory_space<hbm>>
      %dma_start3A_1138 = arith.constant 0 : i32
      %dma_start3A_1139 = tpu.memref_slice %arg9[%run_scoped3A_25, %dma_start3A_1138] : memref<4x128xi32, #tpu.memory_space<vmem>> -> memref<1x128xi32, #tpu.memory_space<vmem>>
      %dma_start3A_1140 = tpu.memref_squeeze %dma_start3A_1139 : memref<1x128xi32, #tpu.memory_space<vmem>> -> memref<128xi32, #tpu.memory_space<vmem>>
      %dma_start3A_1141 = tpu.memref_slice %arg3[%add3A_24] : memref<16384xi32, #tpu.memory_space<hbm>> -> memref<128xi32, #tpu.memory_space<hbm>>
      tpu.enqueue_dma source(%dma_start3A_1141 : memref<128xi32, #tpu.memory_space<hbm>>) target(%dma_start3A_1140 : memref<128xi32, #tpu.memory_space<vmem>>) target_semaphore(%run_scoped3A_1133 : memref<!tpu.dma_semaphore, #tpu.memory_space<semaphore_mem>>)
      %dma_wait3A_1142 = arith.constant 0 : i32
      %dma_wait3A_1143 = tpu.memref_slice %arg9[%run_scoped3A_25, %dma_wait3A_1142] : memref<4x128xi32, #tpu.memory_space<vmem>> -> memref<1x128xi32, #tpu.memory_space<vmem>>
      %dma_wait3A_1144 = tpu.memref_squeeze %dma_wait3A_1143 : memref<1x128xi32, #tpu.memory_space<vmem>> -> memref<128xi32, #tpu.memory_space<vmem>>
      %dma_wait3A_1145 = tpu.memref_slice %arg3[%add3A_24] : memref<16384xi32, #tpu.memory_space<hbm>> -> memref<128xi32, #tpu.memory_space<hbm>>
      %dma_wait3A_1146 = arith.constant 0 : i32
      %dma_wait3A_1147 = tpu.memref_slice %arg9[%run_scoped3A_25, %dma_wait3A_1146] : memref<4x128xi32, #tpu.memory_space<vmem>> -> memref<1x128xi32, #tpu.memory_space<vmem>>
      %dma_wait3A_1148 = tpu.memref_squeeze %dma_wait3A_1147 : memref<1x128xi32, #tpu.memory_space<vmem>> -> memref<128xi32, #tpu.memory_space<vmem>>
      %dma_wait3A_1149 = tpu.memref_slice %arg3[%add3A_24] : memref<16384xi32, #tpu.memory_space<hbm>> -> memref<128xi32, #tpu.memory_space<hbm>>
      tpu.wait_dma2 semaphore(%run_scoped3A_1133 : memref<!tpu.dma_semaphore, #tpu.memory_space<semaphore_mem>>) src(%dma_wait3A_1149 : memref<128xi32, #tpu.memory_space<hbm>>) dst(%dma_wait3A_1148 : memref<128xi32, #tpu.memory_space<vmem>>)
      tpu.yield
    }) : () -> ()
    %get3A = arith.constant 0 : i32
    %get3A_26 = arith.index_cast %get3A : i32 to index
    %get3A_27 = arith.constant 0 : index
    %get3A_28 = tpu.vector_load %arg8[%get3A_26, %get3A_27] {strides = array<i32>} : memref<4x128xi32, #tpu.memory_space<vmem>>, vector<1x16xi32>,
    %get3A_29 = vector.shape_cast %get3A_28 : vector<1x16xi32> to vector<16xi32>
    %shift_right_arithmetic3A = arith.constant 3 : i32
    %shift_right_arithmetic3A_30 = vector.broadcast %shift_right_arithmetic3A : i32 to vector<16xi32>
    %shift_right_arithmetic3A_31 = arith.shrsi %get3A_29, %shift_right_arithmetic3A_30 : vector<16xi32>
    %swap3A = arith.constant 0 : i32
    %swap3A_32 = arith.index_cast %swap3A : i32 to index
    %swap3A_33 = arith.constant 0 : index
    %swap3A_34 = tpu.vector_load %arg8[%swap3A_32, %swap3A_33] {strides = array<i32>} : memref<4x128xi32, #tpu.memory_space<vmem>>, vector<1x16xi32>,
    %swap3A_35 = vector.shape_cast %swap3A_34 : vector<1x16xi32> to vector<16xi32>
    %swap3A_36 = vector.shape_cast %shift_right_arithmetic3A_31 : vector<16xi32> to vector<1x16xi32>
    tpu.vector_store %arg8[%swap3A_32, %swap3A_33], %swap3A_36 {strides = array<i32>} : memref<4x128xi32, #tpu.memory_space<vmem>>, vector<1x16xi32>,
    %get3A_37 = arith.constant 0 : i32
    %get3A_38 = arith.index_cast %get3A_37 : i32 to index
    %get3A_39 = arith.constant 0 : index
    %get3A_40 = tpu.vector_load %arg9[%get3A_38, %get3A_39] {strides = array<i32>} : memref<4x128xi32, #tpu.memory_space<vmem>>, vector<1x16xi32>,
    %get3A_41 = vector.shape_cast %get3A_40 : vector<1x16xi32> to vector<16xi32>
    %shift_right_arithmetic3A_42 = arith.constant 3 : i32
    %shift_right_arithmetic3A_43 = vector.broadcast %shift_right_arithmetic3A_42 : i32 to vector<16xi32>
    %shift_right_arithmetic3A_44 = arith.shrsi %get3A_41, %shift_right_arithmetic3A_43 : vector<16xi32>
    %swap3A_45 = arith.constant 0 : i32
    %swap3A_46 = arith.index_cast %swap3A_45 : i32 to index
    %swap3A_47 = arith.constant 0 : index
    %swap3A_48 = tpu.vector_load %arg9[%swap3A_46, %swap3A_47] {strides = array<i32>} : memref<4x128xi32, #tpu.memory_space<vmem>>, vector<1x16xi32>,
    %swap3A_49 = vector.shape_cast %swap3A_48 : vector<1x16xi32> to vector<16xi32>
    %swap3A_50 = vector.shape_cast %shift_right_arithmetic3A_44 : vector<16xi32> to vector<1x16xi32>
    tpu.vector_store %arg9[%swap3A_46, %swap3A_47], %swap3A_50 {strides = array<i32>} : memref<4x128xi32, #tpu.memory_space<vmem>>, vector<1x16xi32>,
    %get3A_51 = arith.constant 0 : i32
    %get3A_52 = arith.index_cast %get3A_51 : i32 to index
    %get3A_53 = arith.constant 16 : index
    %get3A_54 = tpu.vector_load %arg8[%get3A_52, %get3A_53] {strides = array<i32>} : memref<4x128xi32, #tpu.memory_space<vmem>>, vector<1x16xi32>,
    %get3A_55 = vector.shape_cast %get3A_54 : vector<1x16xi32> to vector<16xi32>
    %shift_right_arithmetic3A_56 = arith.constant 3 : i32
    %shift_right_arithmetic3A_57 = vector.broadcast %shift_right_arithmetic3A_56 : i32 to vector<16xi32>
    %shift_right_arithmetic3A_58 = arith.shrsi %get3A_55, %shift_right_arithmetic3A_57 : vector<16xi32>
    %swap3A_59 = arith.constant 0 : i32
    %swap3A_60 = arith.index_cast %swap3A_59 : i32 to index
    %swap3A_61 = arith.constant 16 : index
    %swap3A_62 = tpu.vector_load %arg8[%swap3A_60, %swap3A_61] {strides = array<i32>} : memref<4x128xi32, #tpu.memory_space<vmem>>, vector<1x16xi32>,
    %swap3A_63 = vector.shape_cast %swap3A_62 : vector<1x16xi32> to vector<16xi32>
    %swap3A_64 = vector.shape_cast %shift_right_arithmetic3A_58 : vector<16xi32> to vector<1x16xi32>
    tpu.vector_store %arg8[%swap3A_60, %swap3A_61], %swap3A_64 {strides = array<i32>} : memref<4x128xi32, #tpu.memory_space<vmem>>, vector<1x16xi32>,
    %get3A_65 = arith.constant 0 : i32
    %get3A_66 = arith.index_cast %get3A_65 : i32 to index
    %get3A_67 = arith.constant 16 : index
    %get3A_68 = tpu.vector_load %arg9[%get3A_66, %get3A_67] {strides = array<i32>} : memref<4x128xi32, #tpu.memory_space<vmem>>, vector<1x16xi32>,
    %get3A_69 = vector.shape_cast %get3A_68 : vector<1x16xi32> to vector<16xi32>
    %shift_right_arithmetic3A_70 = arith.constant 3 : i32
    %shift_right_arithmetic3A_71 = vector.broadcast %shift_right_arithmetic3A_70 : i32 to vector<16xi32>
    %shift_right_arithmetic3A_72 = arith.shrsi %get3A_69, %shift_right_arithmetic3A_71 : vector<16xi32>
    %swap3A_73 = arith.constant 0 : i32
    %swap3A_74 = arith.index_cast %swap3A_73 : i32 to index
    %swap3A_75 = arith.constant 16 : index
    %swap3A_76 = tpu.vector_load %arg9[%swap3A_74, %swap3A_75] {strides = array<i32>} : memref<4x128xi32, #tpu.memory_space<vmem>>, vector<1x16xi32>,
    %swap3A_77 = vector.shape_cast %swap3A_76 : vector<1x16xi32> to vector<16xi32>
    %swap3A_78 = vector.shape_cast %shift_right_arithmetic3A_72 : vector<16xi32> to vector<1x16xi32>
    tpu.vector_store %arg9[%swap3A_74, %swap3A_75], %swap3A_78 {strides = array<i32>} : memref<4x128xi32, #tpu.memory_space<vmem>>, vector<1x16xi32>,
    %get3A_79 = arith.constant 0 : i32
    %get3A_80 = arith.index_cast %get3A_79 : i32 to index
    %get3A_81 = arith.constant 32 : index
    %get3A_82 = tpu.vector_load %arg8[%get3A_80, %get3A_81] {strides = array<i32>} : memref<4x128xi32, #tpu.memory_space<vmem>>, vector<1x16xi32>,
    %get3A_83 = vector.shape_cast %get3A_82 : vector<1x16xi32> to vector<16xi32>
    %shift_right_arithmetic3A_84 = arith.constant 3 : i32
    %shift_right_arithmetic3A_85 = vector.broadcast %shift_right_arithmetic3A_84 : i32 to vector<16xi32>
    %shift_right_arithmetic3A_86 = arith.shrsi %get3A_83, %shift_right_arithmetic3A_85 : vector<16xi32>
    %swap3A_87 = arith.constant 0 : i32
    %swap3A_88 = arith.index_cast %swap3A_87 : i32 to index
    %swap3A_89 = arith.constant 32 : index
    %swap3A_90 = tpu.vector_load %arg8[%swap3A_88, %swap3A_89] {strides = array<i32>} : memref<4x128xi32, #tpu.memory_space<vmem>>, vector<1x16xi32>,
    %swap3A_91 = vector.shape_cast %swap3A_90 : vector<1x16xi32> to vector<16xi32>
    %swap3A_92 = vector.shape_cast %shift_right_arithmetic3A_86 : vector<16xi32> to vector<1x16xi32>
    tpu.vector_store %arg8[%swap3A_88, %swap3A_89], %swap3A_92 {strides = array<i32>} : memref<4x128xi32, #tpu.memory_space<vmem>>, vector<1x16xi32>,
    %get3A_93 = arith.constant 0 : i32
    %get3A_94 = arith.index_cast %get3A_93 : i32 to index
    %get3A_95 = arith.constant 32 : index
    %get3A_96 = tpu.vector_load %arg9[%get3A_94, %get3A_95] {strides = array<i32>} : memref<4x128xi32, #tpu.memory_space<vmem>>, vector<1x16xi32>,
    %get3A_97 = vector.shape_cast %get3A_96 : vector<1x16xi32> to vector<16xi32>
    %shift_right_arithmetic3A_98 = arith.constant 3 : i32
    %shift_right_arithmetic3A_99 = vector.broadcast %shift_right_arithmetic3A_98 : i32 to vector<16xi32>
    %shift_right_arithmetic3A_100 = arith.shrsi %get3A_97, %shift_right_arithmetic3A_99 : vector<16xi32>
    %swap3A_101 = arith.constant 0 : i32
    %swap3A_102 = arith.index_cast %swap3A_101 : i32 to index
    %swap3A_103 = arith.constant 32 : index
    %swap3A_104 = tpu.vector_load %arg9[%swap3A_102, %swap3A_103] {strides = array<i32>} : memref<4x128xi32, #tpu.memory_space<vmem>>, vector<1x16xi32>,
    %swap3A_105 = vector.shape_cast %swap3A_104 : vector<1x16xi32> to vector<16xi32>
    %swap3A_106 = vector.shape_cast %shift_right_arithmetic3A_100 : vector<16xi32> to vector<1x16xi32>
    tpu.vector_store %arg9[%swap3A_102, %swap3A_103], %swap3A_106 {strides = array<i32>} : memref<4x128xi32, #tpu.memory_space<vmem>>, vector<1x16xi32>,
    %get3A_107 = arith.constant 0 : i32
    %get3A_108 = arith.index_cast %get3A_107 : i32 to index
    %get3A_109 = arith.constant 48 : index
    %get3A_110 = tpu.vector_load %arg8[%get3A_108, %get3A_109] {strides = array<i32>} : memref<4x128xi32, #tpu.memory_space<vmem>>, vector<1x16xi32>,
    %get3A_111 = vector.shape_cast %get3A_110 : vector<1x16xi32> to vector<16xi32>
    %shift_right_arithmetic3A_112 = arith.constant 3 : i32
    %shift_right_arithmetic3A_113 = vector.broadcast %shift_right_arithmetic3A_112 : i32 to vector<16xi32>
    %shift_right_arithmetic3A_114 = arith.shrsi %get3A_111, %shift_right_arithmetic3A_113 : vector<16xi32>
    %swap3A_115 = arith.constant 0 : i32
    %swap3A_116 = arith.index_cast %swap3A_115 : i32 to index
    %swap3A_117 = arith.constant 48 : index
    %swap3A_118 = tpu.vector_load %arg8[%swap3A_116, %swap3A_117] {strides = array<i32>} : memref<4x128xi32, #tpu.memory_space<vmem>>, vector<1x16xi32>,
    %swap3A_119 = vector.shape_cast %swap3A_118 : vector<1x16xi32> to vector<16xi32>
    %swap3A_120 = vector.shape_cast %shift_right_arithmetic3A_114 : vector<16xi32> to vector<1x16xi32>
    tpu.vector_store %arg8[%swap3A_116, %swap3A_117], %swap3A_120 {strides = array<i32>} : memref<4x128xi32, #tpu.memory_space<vmem>>, vector<1x16xi32>,
    %get3A_121 = arith.constant 0 : i32
    %get3A_122 = arith.index_cast %get3A_121 : i32 to index
    %get3A_123 = arith.constant 48 : index
    %get3A_124 = tpu.vector_load %arg9[%get3A_122, %get3A_123] {strides = array<i32>} : memref<4x128xi32, #tpu.memory_space<vmem>>, vector<1x16xi32>,
    %get3A_125 = vector.shape_cast %get3A_124 : vector<1x16xi32> to vector<16xi32>
    %shift_right_arithmetic3A_126 = arith.constant 3 : i32
    %shift_right_arithmetic3A_127 = vector.broadcast %shift_right_arithmetic3A_126 : i32 to vector<16xi32>
    %shift_right_arithmetic3A_128 = arith.shrsi %get3A_125, %shift_right_arithmetic3A_127 : vector<16xi32>
    %swap3A_129 = arith.constant 0 : i32
    %swap3A_130 = arith.index_cast %swap3A_129 : i32 to index
    %swap3A_131 = arith.constant 48 : index
    %swap3A_132 = tpu.vector_load %arg9[%swap3A_130, %swap3A_131] {strides = array<i32>} : memref<4x128xi32, #tpu.memory_space<vmem>>, vector<1x16xi32>,
    %swap3A_133 = vector.shape_cast %swap3A_132 : vector<1x16xi32> to vector<16xi32>
    %swap3A_134 = vector.shape_cast %shift_right_arithmetic3A_128 : vector<16xi32> to vector<1x16xi32>
    tpu.vector_store %arg9[%swap3A_130, %swap3A_131], %swap3A_134 {strides = array<i32>} : memref<4x128xi32, #tpu.memory_space<vmem>>, vector<1x16xi32>,
    %get3A_135 = arith.constant 0 : i32
    %get3A_136 = arith.index_cast %get3A_135 : i32 to index
    %get3A_137 = arith.constant 64 : index
    %get3A_138 = tpu.vector_load %arg8[%get3A_136, %get3A_137] {strides = array<i32>} : memref<4x128xi32, #tpu.memory_space<vmem>>, vector<1x16xi32>,
    %get3A_139 = vector.shape_cast %get3A_138 : vector<1x16xi32> to vector<16xi32>
    %shift_right_arithmetic3A_140 = arith.constant 3 : i32
    %shift_right_arithmetic3A_141 = vector.broadcast %shift_right_arithmetic3A_140 : i32 to vector<16xi32>
    %shift_right_arithmetic3A_142 = arith.shrsi %get3A_139, %shift_right_arithmetic3A_141 : vector<16xi32>
    %swap3A_143 = arith.constant 0 : i32
    %swap3A_144 = arith.index_cast %swap3A_143 : i32 to index
    %swap3A_145 = arith.constant 64 : index
    %swap3A_146 = tpu.vector_load %arg8[%swap3A_144, %swap3A_145] {strides = array<i32>} : memref<4x128xi32, #tpu.memory_space<vmem>>, vector<1x16xi32>,
    %swap3A_147 = vector.shape_cast %swap3A_146 : vector<1x16xi32> to vector<16xi32>
    %swap3A_148 = vector.shape_cast %shift_right_arithmetic3A_142 : vector<16xi32> to vector<1x16xi32>
    tpu.vector_store %arg8[%swap3A_144, %swap3A_145], %swap3A_148 {strides = array<i32>} : memref<4x128xi32, #tpu.memory_space<vmem>>, vector<1x16xi32>,
    %get3A_149 = arith.constant 0 : i32
    %get3A_150 = arith.index_cast %get3A_149 : i32 to index
    %get3A_151 = arith.constant 64 : index
    %get3A_152 = tpu.vector_load %arg9[%get3A_150, %get3A_151] {strides = array<i32>} : memref<4x128xi32, #tpu.memory_space<vmem>>, vector<1x16xi32>,
    %get3A_153 = vector.shape_cast %get3A_152 : vector<1x16xi32> to vector<16xi32>
    %shift_right_arithmetic3A_154 = arith.constant 3 : i32
    %shift_right_arithmetic3A_155 = vector.broadcast %shift_right_arithmetic3A_154 : i32 to vector<16xi32>
    %shift_right_arithmetic3A_156 = arith.shrsi %get3A_153, %shift_right_arithmetic3A_155 : vector<16xi32>
    %swap3A_157 = arith.constant 0 : i32
    %swap3A_158 = arith.index_cast %swap3A_157 : i32 to index
    %swap3A_159 = arith.constant 64 : index
    %swap3A_160 = tpu.vector_load %arg9[%swap3A_158, %swap3A_159] {strides = array<i32>} : memref<4x128xi32, #tpu.memory_space<vmem>>, vector<1x16xi32>,
    %swap3A_161 = vector.shape_cast %swap3A_160 : vector<1x16xi32> to vector<16xi32>
    %swap3A_162 = vector.shape_cast %shift_right_arithmetic3A_156 : vector<16xi32> to vector<1x16xi32>
    tpu.vector_store %arg9[%swap3A_158, %swap3A_159], %swap3A_162 {strides = array<i32>} : memref<4x128xi32, #tpu.memory_space<vmem>>, vector<1x16xi32>,
    %get3A_163 = arith.constant 0 : i32
    %get3A_164 = arith.index_cast %get3A_163 : i32 to index
    %get3A_165 = arith.constant 80 : index
    %get3A_166 = tpu.vector_load %arg8[%get3A_164, %get3A_165] {strides = array<i32>} : memref<4x128xi32, #tpu.memory_space<vmem>>, vector<1x16xi32>,
    %get3A_167 = vector.shape_cast %get3A_166 : vector<1x16xi32> to vector<16xi32>
    %shift_right_arithmetic3A_168 = arith.constant 3 : i32
    %shift_right_arithmetic3A_169 = vector.broadcast %shift_right_arithmetic3A_168 : i32 to vector<16xi32>
    %shift_right_arithmetic3A_170 = arith.shrsi %get3A_167, %shift_right_arithmetic3A_169 : vector<16xi32>
    %swap3A_171 = arith.constant 0 : i32
    %swap3A_172 = arith.index_cast %swap3A_171 : i32 to index
    %swap3A_173 = arith.constant 80 : index
    %swap3A_174 = tpu.vector_load %arg8[%swap3A_172, %swap3A_173] {strides = array<i32>} : memref<4x128xi32, #tpu.memory_space<vmem>>, vector<1x16xi32>,
    %swap3A_175 = vector.shape_cast %swap3A_174 : vector<1x16xi32> to vector<16xi32>
    %swap3A_176 = vector.shape_cast %shift_right_arithmetic3A_170 : vector<16xi32> to vector<1x16xi32>
    tpu.vector_store %arg8[%swap3A_172, %swap3A_173], %swap3A_176 {strides = array<i32>} : memref<4x128xi32, #tpu.memory_space<vmem>>, vector<1x16xi32>,
    %get3A_177 = arith.constant 0 : i32
    %get3A_178 = arith.index_cast %get3A_177 : i32 to index
    %get3A_179 = arith.constant 80 : index
    %get3A_180 = tpu.vector_load %arg9[%get3A_178, %get3A_179] {strides = array<i32>} : memref<4x128xi32, #tpu.memory_space<vmem>>, vector<1x16xi32>,
    %get3A_181 = vector.shape_cast %get3A_180 : vector<1x16xi32> to vector<16xi32>
    %shift_right_arithmetic3A_182 = arith.constant 3 : i32
    %shift_right_arithmetic3A_183 = vector.broadcast %shift_right_arithmetic3A_182 : i32 to vector<16xi32>
    %shift_right_arithmetic3A_184 = arith.shrsi %get3A_181, %shift_right_arithmetic3A_183 : vector<16xi32>
    %swap3A_185 = arith.constant 0 : i32
    %swap3A_186 = arith.index_cast %swap3A_185 : i32 to index
    %swap3A_187 = arith.constant 80 : index
    %swap3A_188 = tpu.vector_load %arg9[%swap3A_186, %swap3A_187] {strides = array<i32>} : memref<4x128xi32, #tpu.memory_space<vmem>>, vector<1x16xi32>,
    %swap3A_189 = vector.shape_cast %swap3A_188 : vector<1x16xi32> to vector<16xi32>
    %swap3A_190 = vector.shape_cast %shift_right_arithmetic3A_184 : vector<16xi32> to vector<1x16xi32>
    tpu.vector_store %arg9[%swap3A_186, %swap3A_187], %swap3A_190 {strides = array<i32>} : memref<4x128xi32, #tpu.memory_space<vmem>>, vector<1x16xi32>,
    %get3A_191 = arith.constant 0 : i32
    %get3A_192 = arith.index_cast %get3A_191 : i32 to index
    %get3A_193 = arith.constant 96 : index
    %get3A_194 = tpu.vector_load %arg8[%get3A_192, %get3A_193] {strides = array<i32>} : memref<4x128xi32, #tpu.memory_space<vmem>>, vector<1x16xi32>,
    %get3A_195 = vector.shape_cast %get3A_194 : vector<1x16xi32> to vector<16xi32>
    %shift_right_arithmetic3A_196 = arith.constant 3 : i32
    %shift_right_arithmetic3A_197 = vector.broadcast %shift_right_arithmetic3A_196 : i32 to vector<16xi32>
    %shift_right_arithmetic3A_198 = arith.shrsi %get3A_195, %shift_right_arithmetic3A_197 : vector<16xi32>
    %swap3A_199 = arith.constant 0 : i32
    %swap3A_200 = arith.index_cast %swap3A_199 : i32 to index
    %swap3A_201 = arith.constant 96 : index
    %swap3A_202 = tpu.vector_load %arg8[%swap3A_200, %swap3A_201] {strides = array<i32>} : memref<4x128xi32, #tpu.memory_space<vmem>>, vector<1x16xi32>,
    %swap3A_203 = vector.shape_cast %swap3A_202 : vector<1x16xi32> to vector<16xi32>
    %swap3A_204 = vector.shape_cast %shift_right_arithmetic3A_198 : vector<16xi32> to vector<1x16xi32>
    tpu.vector_store %arg8[%swap3A_200, %swap3A_201], %swap3A_204 {strides = array<i32>} : memref<4x128xi32, #tpu.memory_space<vmem>>, vector<1x16xi32>,
    %get3A_205 = arith.constant 0 : i32
    %get3A_206 = arith.index_cast %get3A_205 : i32 to index
    %get3A_207 = arith.constant 96 : index
    %get3A_208 = tpu.vector_load %arg9[%get3A_206, %get3A_207] {strides = array<i32>} : memref<4x128xi32, #tpu.memory_space<vmem>>, vector<1x16xi32>,
    %get3A_209 = vector.shape_cast %get3A_208 : vector<1x16xi32> to vector<16xi32>
    %shift_right_arithmetic3A_210 = arith.constant 3 : i32
    %shift_right_arithmetic3A_211 = vector.broadcast %shift_right_arithmetic3A_210 : i32 to vector<16xi32>
    %shift_right_arithmetic3A_212 = arith.shrsi %get3A_209, %shift_right_arithmetic3A_211 : vector<16xi32>
    %swap3A_213 = arith.constant 0 : i32
    %swap3A_214 = arith.index_cast %swap3A_213 : i32 to index
    %swap3A_215 = arith.constant 96 : index
    %swap3A_216 = tpu.vector_load %arg9[%swap3A_214, %swap3A_215] {strides = array<i32>} : memref<4x128xi32, #tpu.memory_space<vmem>>, vector<1x16xi32>,
    %swap3A_217 = vector.shape_cast %swap3A_216 : vector<1x16xi32> to vector<16xi32>
    %swap3A_218 = vector.shape_cast %shift_right_arithmetic3A_212 : vector<16xi32> to vector<1x16xi32>
    tpu.vector_store %arg9[%swap3A_214, %swap3A_215], %swap3A_218 {strides = array<i32>} : memref<4x128xi32, #tpu.memory_space<vmem>>, vector<1x16xi32>,
    %get3A_219 = arith.constant 0 : i32
    %get3A_220 = arith.index_cast %get3A_219 : i32 to index
    %get3A_221 = arith.constant 112 : index
    %get3A_222 = tpu.vector_load %arg8[%get3A_220, %get3A_221] {strides = array<i32>} : memref<4x128xi32, #tpu.memory_space<vmem>>, vector<1x16xi32>,
    %get3A_223 = vector.shape_cast %get3A_222 : vector<1x16xi32> to vector<16xi32>
    %shift_right_arithmetic3A_224 = arith.constant 3 : i32
    %shift_right_arithmetic3A_225 = vector.broadcast %shift_right_arithmetic3A_224 : i32 to vector<16xi32>
    %shift_right_arithmetic3A_226 = arith.shrsi %get3A_223, %shift_right_arithmetic3A_225 : vector<16xi32>
    %swap3A_227 = arith.constant 0 : i32
    %swap3A_228 = arith.index_cast %swap3A_227 : i32 to index
    %swap3A_229 = arith.constant 112 : index
    %swap3A_230 = tpu.vector_load %arg8[%swap3A_228, %swap3A_229] {strides = array<i32>} : memref<4x128xi32, #tpu.memory_space<vmem>>, vector<1x16xi32>,
    %swap3A_231 = vector.shape_cast %swap3A_230 : vector<1x16xi32> to vector<16xi32>
    %swap3A_232 = vector.shape_cast %shift_right_arithmetic3A_226 : vector<16xi32> to vector<1x16xi32>
    tpu.vector_store %arg8[%swap3A_228, %swap3A_229], %swap3A_232 {strides = array<i32>} : memref<4x128xi32, #tpu.memory_space<vmem>>, vector<1x16xi32>,
    %get3A_233 = arith.constant 0 : i32
    %get3A_234 = arith.index_cast %get3A_233 : i32 to index
    %get3A_235 = arith.constant 112 : index
    %get3A_236 = tpu.vector_load %arg9[%get3A_234, %get3A_235] {strides = array<i32>} : memref<4x128xi32, #tpu.memory_space<vmem>>, vector<1x16xi32>,
    %get3A_237 = vector.shape_cast %get3A_236 : vector<1x16xi32> to vector<16xi32>
    %shift_right_arithmetic3A_238 = arith.constant 3 : i32
    %shift_right_arithmetic3A_239 = vector.broadcast %shift_right_arithmetic3A_238 : i32 to vector<16xi32>
    %shift_right_arithmetic3A_240 = arith.shrsi %get3A_237, %shift_right_arithmetic3A_239 : vector<16xi32>
    %swap3A_241 = arith.constant 0 : i32
    %swap3A_242 = arith.index_cast %swap3A_241 : i32 to index
    %swap3A_243 = arith.constant 112 : index
    %swap3A_244 = tpu.vector_load %arg9[%swap3A_242, %swap3A_243] {strides = array<i32>} : memref<4x128xi32, #tpu.memory_space<vmem>>, vector<1x16xi32>,
    %swap3A_245 = vector.shape_cast %swap3A_244 : vector<1x16xi32> to vector<16xi32>
    %swap3A_246 = vector.shape_cast %shift_right_arithmetic3A_240 : vector<16xi32> to vector<1x16xi32>
    tpu.vector_store %arg9[%swap3A_242, %swap3A_243], %swap3A_246 {strides = array<i32>} : memref<4x128xi32, #tpu.memory_space<vmem>>, vector<1x16xi32>,
    %get3A_247 = arith.constant 1 : i32
    %get3A_248 = arith.index_cast %get3A_247 : i32 to index
    %get3A_249 = arith.constant 0 : index
    %get3A_250 = tpu.vector_load %arg8[%get3A_248, %get3A_249] {strides = array<i32>} : memref<4x128xi32, #tpu.memory_space<vmem>>, vector<1x16xi32>,
    %get3A_251 = vector.shape_cast %get3A_250 : vector<1x16xi32> to vector<16xi32>
    %shift_right_arithmetic3A_252 = arith.constant 3 : i32
    %shift_right_arithmetic3A_253 = vector.broadcast %shift_right_arithmetic3A_252 : i32 to vector<16xi32>
    %shift_right_arithmetic3A_254 = arith.shrsi %get3A_251, %shift_right_arithmetic3A_253 : vector<16xi32>
    %swap3A_255 = arith.constant 1 : i32
    %swap3A_256 = arith.index_cast %swap3A_255 : i32 to index
    %swap3A_257 = arith.constant 0 : index
    %swap3A_258 = tpu.vector_load %arg8[%swap3A_256, %swap3A_257] {strides = array<i32>} : memref<4x128xi32, #tpu.memory_space<vmem>>, vector<1x16xi32>,
    %swap3A_259 = vector.shape_cast %swap3A_258 : vector<1x16xi32> to vector<16xi32>
    %swap3A_260 = vector.shape_cast %shift_right_arithmetic3A_254 : vector<16xi32> to vector<1x16xi32>
    tpu.vector_store %arg8[%swap3A_256, %swap3A_257], %swap3A_260 {strides = array<i32>} : memref<4x128xi32, #tpu.memory_space<vmem>>, vector<1x16xi32>,
    %get3A_261 = arith.constant 1 : i32
    %get3A_262 = arith.index_cast %get3A_261 : i32 to index
    %get3A_263 = arith.constant 0 : index
    %get3A_264 = tpu.vector_load %arg9[%get3A_262, %get3A_263] {strides = array<i32>} : memref<4x128xi32, #tpu.memory_space<vmem>>, vector<1x16xi32>,
    %get3A_265 = vector.shape_cast %get3A_264 : vector<1x16xi32> to vector<16xi32>
    %shift_right_arithmetic3A_266 = arith.constant 3 : i32
    %shift_right_arithmetic3A_267 = vector.broadcast %shift_right_arithmetic3A_266 : i32 to vector<16xi32>
    %shift_right_arithmetic3A_268 = arith.shrsi %get3A_265, %shift_right_arithmetic3A_267 : vector<16xi32>
    %swap3A_269 = arith.constant 1 : i32
    %swap3A_270 = arith.index_cast %swap3A_269 : i32 to index
    %swap3A_271 = arith.constant 0 : index
    %swap3A_272 = tpu.vector_load %arg9[%swap3A_270, %swap3A_271] {strides = array<i32>} : memref<4x128xi32, #tpu.memory_space<vmem>>, vector<1x16xi32>,
    %swap3A_273 = vector.shape_cast %swap3A_272 : vector<1x16xi32> to vector<16xi32>
    %swap3A_274 = vector.shape_cast %shift_right_arithmetic3A_268 : vector<16xi32> to vector<1x16xi32>
    tpu.vector_store %arg9[%swap3A_270, %swap3A_271], %swap3A_274 {strides = array<i32>} : memref<4x128xi32, #tpu.memory_space<vmem>>, vector<1x16xi32>,
    %get3A_275 = arith.constant 1 : i32
    %get3A_276 = arith.index_cast %get3A_275 : i32 to index
    %get3A_277 = arith.constant 16 : index
    %get3A_278 = tpu.vector_load %arg8[%get3A_276, %get3A_277] {strides = array<i32>} : memref<4x128xi32, #tpu.memory_space<vmem>>, vector<1x16xi32>,
    %get3A_279 = vector.shape_cast %get3A_278 : vector<1x16xi32> to vector<16xi32>
    %shift_right_arithmetic3A_280 = arith.constant 3 : i32
    %shift_right_arithmetic3A_281 = vector.broadcast %shift_right_arithmetic3A_280 : i32 to vector<16xi32>
    %shift_right_arithmetic3A_282 = arith.shrsi %get3A_279, %shift_right_arithmetic3A_281 : vector<16xi32>
    %swap3A_283 = arith.constant 1 : i32
    %swap3A_284 = arith.index_cast %swap3A_283 : i32 to index
    %swap3A_285 = arith.constant 16 : index
    %swap3A_286 = tpu.vector_load %arg8[%swap3A_284, %swap3A_285] {strides = array<i32>} : memref<4x128xi32, #tpu.memory_space<vmem>>, vector<1x16xi32>,
    %swap3A_287 = vector.shape_cast %swap3A_286 : vector<1x16xi32> to vector<16xi32>
    %swap3A_288 = vector.shape_cast %shift_right_arithmetic3A_282 : vector<16xi32> to vector<1x16xi32>
    tpu.vector_store %arg8[%swap3A_284, %swap3A_285], %swap3A_288 {strides = array<i32>} : memref<4x128xi32, #tpu.memory_space<vmem>>, vector<1x16xi32>,
    %get3A_289 = arith.constant 1 : i32
    %get3A_290 = arith.index_cast %get3A_289 : i32 to index
    %get3A_291 = arith.constant 16 : index
    %get3A_292 = tpu.vector_load %arg9[%get3A_290, %get3A_291] {strides = array<i32>} : memref<4x128xi32, #tpu.memory_space<vmem>>, vector<1x16xi32>,
    %get3A_293 = vector.shape_cast %get3A_292 : vector<1x16xi32> to vector<16xi32>
    %shift_right_arithmetic3A_294 = arith.constant 3 : i32
    %shift_right_arithmetic3A_295 = vector.broadcast %shift_right_arithmetic3A_294 : i32 to vector<16xi32>
    %shift_right_arithmetic3A_296 = arith.shrsi %get3A_293, %shift_right_arithmetic3A_295 : vector<16xi32>
    %swap3A_297 = arith.constant 1 : i32
    %swap3A_298 = arith.index_cast %swap3A_297 : i32 to index
    %swap3A_299 = arith.constant 16 : index
    %swap3A_300 = tpu.vector_load %arg9[%swap3A_298, %swap3A_299] {strides = array<i32>} : memref<4x128xi32, #tpu.memory_space<vmem>>, vector<1x16xi32>,
    %swap3A_301 = vector.shape_cast %swap3A_300 : vector<1x16xi32> to vector<16xi32>
    %swap3A_302 = vector.shape_cast %shift_right_arithmetic3A_296 : vector<16xi32> to vector<1x16xi32>
    tpu.vector_store %arg9[%swap3A_298, %swap3A_299], %swap3A_302 {strides = array<i32>} : memref<4x128xi32, #tpu.memory_space<vmem>>, vector<1x16xi32>,
    %get3A_303 = arith.constant 1 : i32
    %get3A_304 = arith.index_cast %get3A_303 : i32 to index
    %get3A_305 = arith.constant 32 : index
    %get3A_306 = tpu.vector_load %arg8[%get3A_304, %get3A_305] {strides = array<i32>} : memref<4x128xi32, #tpu.memory_space<vmem>>, vector<1x16xi32>,
    %get3A_307 = vector.shape_cast %get3A_306 : vector<1x16xi32> to vector<16xi32>
    %shift_right_arithmetic3A_308 = arith.constant 3 : i32
    %shift_right_arithmetic3A_309 = vector.broadcast %shift_right_arithmetic3A_308 : i32 to vector<16xi32>
    %shift_right_arithmetic3A_310 = arith.shrsi %get3A_307, %shift_right_arithmetic3A_309 : vector<16xi32>
    %swap3A_311 = arith.constant 1 : i32
    %swap3A_312 = arith.index_cast %swap3A_311 : i32 to index
    %swap3A_313 = arith.constant 32 : index
    %swap3A_314 = tpu.vector_load %arg8[%swap3A_312, %swap3A_313] {strides = array<i32>} : memref<4x128xi32, #tpu.memory_space<vmem>>, vector<1x16xi32>,
    %swap3A_315 = vector.shape_cast %swap3A_314 : vector<1x16xi32> to vector<16xi32>
    %swap3A_316 = vector.shape_cast %shift_right_arithmetic3A_310 : vector<16xi32> to vector<1x16xi32>
    tpu.vector_store %arg8[%swap3A_312, %swap3A_313], %swap3A_316 {strides = array<i32>} : memref<4x128xi32, #tpu.memory_space<vmem>>, vector<1x16xi32>,
    %get3A_317 = arith.constant 1 : i32
    %get3A_318 = arith.index_cast %get3A_317 : i32 to index
    %get3A_319 = arith.constant 32 : index
    %get3A_320 = tpu.vector_load %arg9[%get3A_318, %get3A_319] {strides = array<i32>} : memref<4x128xi32, #tpu.memory_space<vmem>>, vector<1x16xi32>,
    %get3A_321 = vector.shape_cast %get3A_320 : vector<1x16xi32> to vector<16xi32>
    %shift_right_arithmetic3A_322 = arith.constant 3 : i32
    %shift_right_arithmetic3A_323 = vector.broadcast %shift_right_arithmetic3A_322 : i32 to vector<16xi32>
    %shift_right_arithmetic3A_324 = arith.shrsi %get3A_321, %shift_right_arithmetic3A_323 : vector<16xi32>
    %swap3A_325 = arith.constant 1 : i32
    %swap3A_326 = arith.index_cast %swap3A_325 : i32 to index
    %swap3A_327 = arith.constant 32 : index
    %swap3A_328 = tpu.vector_load %arg9[%swap3A_326, %swap3A_327] {strides = array<i32>} : memref<4x128xi32, #tpu.memory_space<vmem>>, vector<1x16xi32>,
    %swap3A_329 = vector.shape_cast %swap3A_328 : vector<1x16xi32> to vector<16xi32>
    %swap3A_330 = vector.shape_cast %shift_right_arithmetic3A_324 : vector<16xi32> to vector<1x16xi32>
    tpu.vector_store %arg9[%swap3A_326, %swap3A_327], %swap3A_330 {strides = array<i32>} : memref<4x128xi32, #tpu.memory_space<vmem>>, vector<1x16xi32>,
    %get3A_331 = arith.constant 1 : i32
    %get3A_332 = arith.index_cast %get3A_331 : i32 to index
    %get3A_333 = arith.constant 48 : index
    %get3A_334 = tpu.vector_load %arg8[%get3A_332, %get3A_333] {strides = array<i32>} : memref<4x128xi32, #tpu.memory_space<vmem>>, vector<1x16xi32>,
    %get3A_335 = vector.shape_cast %get3A_334 : vector<1x16xi32> to vector<16xi32>
    %shift_right_arithmetic3A_336 = arith.constant 3 : i32
    %shift_right_arithmetic3A_337 = vector.broadcast %shift_right_arithmetic3A_336 : i32 to vector<16xi32>
    %shift_right_arithmetic3A_338 = arith.shrsi %get3A_335, %shift_right_arithmetic3A_337 : vector<16xi32>
    %swap3A_339 = arith.constant 1 : i32
    %swap3A_340 = arith.index_cast %swap3A_339 : i32 to index
    %swap3A_341 = arith.constant 48 : index
    %swap3A_342 = tpu.vector_load %arg8[%swap3A_340, %swap3A_341] {strides = array<i32>} : memref<4x128xi32, #tpu.memory_space<vmem>>, vector<1x16xi32>,
    %swap3A_343 = vector.shape_cast %swap3A_342 : vector<1x16xi32> to vector<16xi32>
    %swap3A_344 = vector.shape_cast %shift_right_arithmetic3A_338 : vector<16xi32> to vector<1x16xi32>
    tpu.vector_store %arg8[%swap3A_340, %swap3A_341], %swap3A_344 {strides = array<i32>} : memref<4x128xi32, #tpu.memory_space<vmem>>, vector<1x16xi32>,
    %get3A_345 = arith.constant 1 : i32
    %get3A_346 = arith.index_cast %get3A_345 : i32 to index
    %get3A_347 = arith.constant 48 : index
    %get3A_348 = tpu.vector_load %arg9[%get3A_346, %get3A_347] {strides = array<i32>} : memref<4x128xi32, #tpu.memory_space<vmem>>, vector<1x16xi32>,
    %get3A_349 = vector.shape_cast %get3A_348 : vector<1x16xi32> to vector<16xi32>
    %shift_right_arithmetic3A_350 = arith.constant 3 : i32
    %shift_right_arithmetic3A_351 = vector.broadcast %shift_right_arithmetic3A_350 : i32 to vector<16xi32>
    %shift_right_arithmetic3A_352 = arith.shrsi %get3A_349, %shift_right_arithmetic3A_351 : vector<16xi32>
    %swap3A_353 = arith.constant 1 : i32
    %swap3A_354 = arith.index_cast %swap3A_353 : i32 to index
    %swap3A_355 = arith.constant 48 : index
    %swap3A_356 = tpu.vector_load %arg9[%swap3A_354, %swap3A_355] {strides = array<i32>} : memref<4x128xi32, #tpu.memory_space<vmem>>, vector<1x16xi32>,
    %swap3A_357 = vector.shape_cast %swap3A_356 : vector<1x16xi32> to vector<16xi32>
    %swap3A_358 = vector.shape_cast %shift_right_arithmetic3A_352 : vector<16xi32> to vector<1x16xi32>
    tpu.vector_store %arg9[%swap3A_354, %swap3A_355], %swap3A_358 {strides = array<i32>} : memref<4x128xi32, #tpu.memory_space<vmem>>, vector<1x16xi32>,
    %get3A_359 = arith.constant 1 : i32
    %get3A_360 = arith.index_cast %get3A_359 : i32 to index
    %get3A_361 = arith.constant 64 : index
    %get3A_362 = tpu.vector_load %arg8[%get3A_360, %get3A_361] {strides = array<i32>} : memref<4x128xi32, #tpu.memory_space<vmem>>, vector<1x16xi32>,
    %get3A_363 = vector.shape_cast %get3A_362 : vector<1x16xi32> to vector<16xi32>
    %shift_right_arithmetic3A_364 = arith.constant 3 : i32
    %shift_right_arithmetic3A_365 = vector.broadcast %shift_right_arithmetic3A_364 : i32 to vector<16xi32>
    %shift_right_arithmetic3A_366 = arith.shrsi %get3A_363, %shift_right_arithmetic3A_365 : vector<16xi32>
    %swap3A_367 = arith.constant 1 : i32
    %swap3A_368 = arith.index_cast %swap3A_367 : i32 to index
    %swap3A_369 = arith.constant 64 : index
    %swap3A_370 = tpu.vector_load %arg8[%swap3A_368, %swap3A_369] {strides = array<i32>} : memref<4x128xi32, #tpu.memory_space<vmem>>, vector<1x16xi32>,
    %swap3A_371 = vector.shape_cast %swap3A_370 : vector<1x16xi32> to vector<16xi32>
    %swap3A_372 = vector.shape_cast %shift_right_arithmetic3A_366 : vector<16xi32> to vector<1x16xi32>
    tpu.vector_store %arg8[%swap3A_368, %swap3A_369], %swap3A_372 {strides = array<i32>} : memref<4x128xi32, #tpu.memory_space<vmem>>, vector<1x16xi32>,
    %get3A_373 = arith.constant 1 : i32
    %get3A_374 = arith.index_cast %get3A_373 : i32 to index
    %get3A_375 = arith.constant 64 : index
    %get3A_376 = tpu.vector_load %arg9[%get3A_374, %get3A_375] {strides = array<i32>} : memref<4x128xi32, #tpu.memory_space<vmem>>, vector<1x16xi32>,
    %get3A_377 = vector.shape_cast %get3A_376 : vector<1x16xi32> to vector<16xi32>
    %shift_right_arithmetic3A_378 = arith.constant 3 : i32
    %shift_right_arithmetic3A_379 = vector.broadcast %shift_right_arithmetic3A_378 : i32 to vector<16xi32>
    %shift_right_arithmetic3A_380 = arith.shrsi %get3A_377, %shift_right_arithmetic3A_379 : vector<16xi32>
    %swap3A_381 = arith.constant 1 : i32
    %swap3A_382 = arith.index_cast %swap3A_381 : i32 to index
    %swap3A_383 = arith.constant 64 : index
    %swap3A_384 = tpu.vector_load %arg9[%swap3A_382, %swap3A_383] {strides = array<i32>} : memref<4x128xi32, #tpu.memory_space<vmem>>, vector<1x16xi32>,
    %swap3A_385 = vector.shape_cast %swap3A_384 : vector<1x16xi32> to vector<16xi32>
    %swap3A_386 = vector.shape_cast %shift_right_arithmetic3A_380 : vector<16xi32> to vector<1x16xi32>
    tpu.vector_store %arg9[%swap3A_382, %swap3A_383], %swap3A_386 {strides = array<i32>} : memref<4x128xi32, #tpu.memory_space<vmem>>, vector<1x16xi32>,
    %get3A_387 = arith.constant 1 : i32
    %get3A_388 = arith.index_cast %get3A_387 : i32 to index
    %get3A_389 = arith.constant 80 : index
    %get3A_390 = tpu.vector_load %arg8[%get3A_388, %get3A_389] {strides = array<i32>} : memref<4x128xi32, #tpu.memory_space<vmem>>, vector<1x16xi32>,
    %get3A_391 = vector.shape_cast %get3A_390 : vector<1x16xi32> to vector<16xi32>
    %shift_right_arithmetic3A_392 = arith.constant 3 : i32
    %shift_right_arithmetic3A_393 = vector.broadcast %shift_right_arithmetic3A_392 : i32 to vector<16xi32>
    %shift_right_arithmetic3A_394 = arith.shrsi %get3A_391, %shift_right_arithmetic3A_393 : vector<16xi32>
    %swap3A_395 = arith.constant 1 : i32
    %swap3A_396 = arith.index_cast %swap3A_395 : i32 to index
    %swap3A_397 = arith.constant 80 : index
    %swap3A_398 = tpu.vector_load %arg8[%swap3A_396, %swap3A_397] {strides = array<i32>} : memref<4x128xi32, #tpu.memory_space<vmem>>, vector<1x16xi32>,
    %swap3A_399 = vector.shape_cast %swap3A_398 : vector<1x16xi32> to vector<16xi32>
    %swap3A_400 = vector.shape_cast %shift_right_arithmetic3A_394 : vector<16xi32> to vector<1x16xi32>
    tpu.vector_store %arg8[%swap3A_396, %swap3A_397], %swap3A_400 {strides = array<i32>} : memref<4x128xi32, #tpu.memory_space<vmem>>, vector<1x16xi32>,
    %get3A_401 = arith.constant 1 : i32
    %get3A_402 = arith.index_cast %get3A_401 : i32 to index
    %get3A_403 = arith.constant 80 : index
    %get3A_404 = tpu.vector_load %arg9[%get3A_402, %get3A_403] {strides = array<i32>} : memref<4x128xi32, #tpu.memory_space<vmem>>, vector<1x16xi32>,
    %get3A_405 = vector.shape_cast %get3A_404 : vector<1x16xi32> to vector<16xi32>
    %shift_right_arithmetic3A_406 = arith.constant 3 : i32
    %shift_right_arithmetic3A_407 = vector.broadcast %shift_right_arithmetic3A_406 : i32 to vector<16xi32>
    %shift_right_arithmetic3A_408 = arith.shrsi %get3A_405, %shift_right_arithmetic3A_407 : vector<16xi32>
    %swap3A_409 = arith.constant 1 : i32
    %swap3A_410 = arith.index_cast %swap3A_409 : i32 to index
    %swap3A_411 = arith.constant 80 : index
    %swap3A_412 = tpu.vector_load %arg9[%swap3A_410, %swap3A_411] {strides = array<i32>} : memref<4x128xi32, #tpu.memory_space<vmem>>, vector<1x16xi32>,
    %swap3A_413 = vector.shape_cast %swap3A_412 : vector<1x16xi32> to vector<16xi32>
    %swap3A_414 = vector.shape_cast %shift_right_arithmetic3A_408 : vector<16xi32> to vector<1x16xi32>
    tpu.vector_store %arg9[%swap3A_410, %swap3A_411], %swap3A_414 {strides = array<i32>} : memref<4x128xi32, #tpu.memory_space<vmem>>, vector<1x16xi32>,
    %get3A_415 = arith.constant 1 : i32
    %get3A_416 = arith.index_cast %get3A_415 : i32 to index
    %get3A_417 = arith.constant 96 : index
    %get3A_418 = tpu.vector_load %arg8[%get3A_416, %get3A_417] {strides = array<i32>} : memref<4x128xi32, #tpu.memory_space<vmem>>, vector<1x16xi32>,
    %get3A_419 = vector.shape_cast %get3A_418 : vector<1x16xi32> to vector<16xi32>
    %shift_right_arithmetic3A_420 = arith.constant 3 : i32
    %shift_right_arithmetic3A_421 = vector.broadcast %shift_right_arithmetic3A_420 : i32 to vector<16xi32>
    %shift_right_arithmetic3A_422 = arith.shrsi %get3A_419, %shift_right_arithmetic3A_421 : vector<16xi32>
    %swap3A_423 = arith.constant 1 : i32
    %swap3A_424 = arith.index_cast %swap3A_423 : i32 to index
    %swap3A_425 = arith.constant 96 : index
    %swap3A_426 = tpu.vector_load %arg8[%swap3A_424, %swap3A_425] {strides = array<i32>} : memref<4x128xi32, #tpu.memory_space<vmem>>, vector<1x16xi32>,
    %swap3A_427 = vector.shape_cast %swap3A_426 : vector<1x16xi32> to vector<16xi32>
    %swap3A_428 = vector.shape_cast %shift_right_arithmetic3A_422 : vector<16xi32> to vector<1x16xi32>
    tpu.vector_store %arg8[%swap3A_424, %swap3A_425], %swap3A_428 {strides = array<i32>} : memref<4x128xi32, #tpu.memory_space<vmem>>, vector<1x16xi32>,
    %get3A_429 = arith.constant 1 : i32
    %get3A_430 = arith.index_cast %get3A_429 : i32 to index
    %get3A_431 = arith.constant 96 : index
    %get3A_432 = tpu.vector_load %arg9[%get3A_430, %get3A_431] {strides = array<i32>} : memref<4x128xi32, #tpu.memory_space<vmem>>, vector<1x16xi32>,
    %get3A_433 = vector.shape_cast %get3A_432 : vector<1x16xi32> to vector<16xi32>
    %shift_right_arithmetic3A_434 = arith.constant 3 : i32
    %shift_right_arithmetic3A_435 = vector.broadcast %shift_right_arithmetic3A_434 : i32 to vector<16xi32>
    %shift_right_arithmetic3A_436 = arith.shrsi %get3A_433, %shift_right_arithmetic3A_435 : vector<16xi32>
    %swap3A_437 = arith.constant 1 : i32
    %swap3A_438 = arith.index_cast %swap3A_437 : i32 to index
    %swap3A_439 = arith.constant 96 : index
    %swap3A_440 = tpu.vector_load %arg9[%swap3A_438, %swap3A_439] {strides = array<i32>} : memref<4x128xi32, #tpu.memory_space<vmem>>, vector<1x16xi32>,
    %swap3A_441 = vector.shape_cast %swap3A_440 : vector<1x16xi32> to vector<16xi32>
    %swap3A_442 = vector.shape_cast %shift_right_arithmetic3A_436 : vector<16xi32> to vector<1x16xi32>
    tpu.vector_store %arg9[%swap3A_438, %swap3A_439], %swap3A_442 {strides = array<i32>} : memref<4x128xi32, #tpu.memory_space<vmem>>, vector<1x16xi32>,
    %get3A_443 = arith.constant 1 : i32
    %get3A_444 = arith.index_cast %get3A_443 : i32 to index
    %get3A_445 = arith.constant 112 : index
    %get3A_446 = tpu.vector_load %arg8[%get3A_444, %get3A_445] {strides = array<i32>} : memref<4x128xi32, #tpu.memory_space<vmem>>, vector<1x16xi32>,
    %get3A_447 = vector.shape_cast %get3A_446 : vector<1x16xi32> to vector<16xi32>
    %shift_right_arithmetic3A_448 = arith.constant 3 : i32
    %shift_right_arithmetic3A_449 = vector.broadcast %shift_right_arithmetic3A_448 : i32 to vector<16xi32>
    %shift_right_arithmetic3A_450 = arith.shrsi %get3A_447, %shift_right_arithmetic3A_449 : vector<16xi32>
    %swap3A_451 = arith.constant 1 : i32
    %swap3A_452 = arith.index_cast %swap3A_451 : i32 to index
    %swap3A_453 = arith.constant 112 : index
    %swap3A_454 = tpu.vector_load %arg8[%swap3A_452, %swap3A_453] {strides = array<i32>} : memref<4x128xi32, #tpu.memory_space<vmem>>, vector<1x16xi32>,
    %swap3A_455 = vector.shape_cast %swap3A_454 : vector<1x16xi32> to vector<16xi32>
    %swap3A_456 = vector.shape_cast %shift_right_arithmetic3A_450 : vector<16xi32> to vector<1x16xi32>
    tpu.vector_store %arg8[%swap3A_452, %swap3A_453], %swap3A_456 {strides = array<i32>} : memref<4x128xi32, #tpu.memory_space<vmem>>, vector<1x16xi32>,
    %get3A_457 = arith.constant 1 : i32
    %get3A_458 = arith.index_cast %get3A_457 : i32 to index
    %get3A_459 = arith.constant 112 : index
    %get3A_460 = tpu.vector_load %arg9[%get3A_458, %get3A_459] {strides = array<i32>} : memref<4x128xi32, #tpu.memory_space<vmem>>, vector<1x16xi32>,
    %get3A_461 = vector.shape_cast %get3A_460 : vector<1x16xi32> to vector<16xi32>
    %shift_right_arithmetic3A_462 = arith.constant 3 : i32
    %shift_right_arithmetic3A_463 = vector.broadcast %shift_right_arithmetic3A_462 : i32 to vector<16xi32>
    %shift_right_arithmetic3A_464 = arith.shrsi %get3A_461, %shift_right_arithmetic3A_463 : vector<16xi32>
    %swap3A_465 = arith.constant 1 : i32
    %swap3A_466 = arith.index_cast %swap3A_465 : i32 to index
    %swap3A_467 = arith.constant 112 : index
    %swap3A_468 = tpu.vector_load %arg9[%swap3A_466, %swap3A_467] {strides = array<i32>} : memref<4x128xi32, #tpu.memory_space<vmem>>, vector<1x16xi32>,
    %swap3A_469 = vector.shape_cast %swap3A_468 : vector<1x16xi32> to vector<16xi32>
    %swap3A_470 = vector.shape_cast %shift_right_arithmetic3A_464 : vector<16xi32> to vector<1x16xi32>
    tpu.vector_store %arg9[%swap3A_466, %swap3A_467], %swap3A_470 {strides = array<i32>} : memref<4x128xi32, #tpu.memory_space<vmem>>, vector<1x16xi32>,
    %get3A_471 = arith.constant 2 : i32
    %get3A_472 = arith.index_cast %get3A_471 : i32 to index
    %get3A_473 = arith.constant 0 : index
    %get3A_474 = tpu.vector_load %arg8[%get3A_472, %get3A_473] {strides = array<i32>} : memref<4x128xi32, #tpu.memory_space<vmem>>, vector<1x16xi32>,
    %get3A_475 = vector.shape_cast %get3A_474 : vector<1x16xi32> to vector<16xi32>
    %shift_right_arithmetic3A_476 = arith.constant 3 : i32
    %shift_right_arithmetic3A_477 = vector.broadcast %shift_right_arithmetic3A_476 : i32 to vector<16xi32>
    %shift_right_arithmetic3A_478 = arith.shrsi %get3A_475, %shift_right_arithmetic3A_477 : vector<16xi32>
    %swap3A_479 = arith.constant 2 : i32
    %swap3A_480 = arith.index_cast %swap3A_479 : i32 to index
    %swap3A_481 = arith.constant 0 : index
    %swap3A_482 = tpu.vector_load %arg8[%swap3A_480, %swap3A_481] {strides = array<i32>} : memref<4x128xi32, #tpu.memory_space<vmem>>, vector<1x16xi32>,
    %swap3A_483 = vector.shape_cast %swap3A_482 : vector<1x16xi32> to vector<16xi32>
    %swap3A_484 = vector.shape_cast %shift_right_arithmetic3A_478 : vector<16xi32> to vector<1x16xi32>
    tpu.vector_store %arg8[%swap3A_480, %swap3A_481], %swap3A_484 {strides = array<i32>} : memref<4x128xi32, #tpu.memory_space<vmem>>, vector<1x16xi32>,
    %get3A_485 = arith.constant 2 : i32
    %get3A_486 = arith.index_cast %get3A_485 : i32 to index
    %get3A_487 = arith.constant 0 : index
    %get3A_488 = tpu.vector_load %arg9[%get3A_486, %get3A_487] {strides = array<i32>} : memref<4x128xi32, #tpu.memory_space<vmem>>, vector<1x16xi32>,
    %get3A_489 = vector.shape_cast %get3A_488 : vector<1x16xi32> to vector<16xi32>
    %shift_right_arithmetic3A_490 = arith.constant 3 : i32
    %shift_right_arithmetic3A_491 = vector.broadcast %shift_right_arithmetic3A_490 : i32 to vector<16xi32>
    %shift_right_arithmetic3A_492 = arith.shrsi %get3A_489, %shift_right_arithmetic3A_491 : vector<16xi32>
    %swap3A_493 = arith.constant 2 : i32
    %swap3A_494 = arith.index_cast %swap3A_493 : i32 to index
    %swap3A_495 = arith.constant 0 : index
    %swap3A_496 = tpu.vector_load %arg9[%swap3A_494, %swap3A_495] {strides = array<i32>} : memref<4x128xi32, #tpu.memory_space<vmem>>, vector<1x16xi32>,
    %swap3A_497 = vector.shape_cast %swap3A_496 : vector<1x16xi32> to vector<16xi32>
    %swap3A_498 = vector.shape_cast %shift_right_arithmetic3A_492 : vector<16xi32> to vector<1x16xi32>
    tpu.vector_store %arg9[%swap3A_494, %swap3A_495], %swap3A_498 {strides = array<i32>} : memref<4x128xi32, #tpu.memory_space<vmem>>, vector<1x16xi32>,
    %get3A_499 = arith.constant 2 : i32
    %get3A_500 = arith.index_cast %get3A_499 : i32 to index
    %get3A_501 = arith.constant 16 : index
    %get3A_502 = tpu.vector_load %arg8[%get3A_500, %get3A_501] {strides = array<i32>} : memref<4x128xi32, #tpu.memory_space<vmem>>, vector<1x16xi32>,
    %get3A_503 = vector.shape_cast %get3A_502 : vector<1x16xi32> to vector<16xi32>
    %shift_right_arithmetic3A_504 = arith.constant 3 : i32
    %shift_right_arithmetic3A_505 = vector.broadcast %shift_right_arithmetic3A_504 : i32 to vector<16xi32>
    %shift_right_arithmetic3A_506 = arith.shrsi %get3A_503, %shift_right_arithmetic3A_505 : vector<16xi32>
    %swap3A_507 = arith.constant 2 : i32
    %swap3A_508 = arith.index_cast %swap3A_507 : i32 to index
    %swap3A_509 = arith.constant 16 : index
    %swap3A_510 = tpu.vector_load %arg8[%swap3A_508, %swap3A_509] {strides = array<i32>} : memref<4x128xi32, #tpu.memory_space<vmem>>, vector<1x16xi32>,
    %swap3A_511 = vector.shape_cast %swap3A_510 : vector<1x16xi32> to vector<16xi32>
    %swap3A_512 = vector.shape_cast %shift_right_arithmetic3A_506 : vector<16xi32> to vector<1x16xi32>
    tpu.vector_store %arg8[%swap3A_508, %swap3A_509], %swap3A_512 {strides = array<i32>} : memref<4x128xi32, #tpu.memory_space<vmem>>, vector<1x16xi32>,
    %get3A_513 = arith.constant 2 : i32
    %get3A_514 = arith.index_cast %get3A_513 : i32 to index
    %get3A_515 = arith.constant 16 : index
    %get3A_516 = tpu.vector_load %arg9[%get3A_514, %get3A_515] {strides = array<i32>} : memref<4x128xi32, #tpu.memory_space<vmem>>, vector<1x16xi32>,
    %get3A_517 = vector.shape_cast %get3A_516 : vector<1x16xi32> to vector<16xi32>
    %shift_right_arithmetic3A_518 = arith.constant 3 : i32
    %shift_right_arithmetic3A_519 = vector.broadcast %shift_right_arithmetic3A_518 : i32 to vector<16xi32>
    %shift_right_arithmetic3A_520 = arith.shrsi %get3A_517, %shift_right_arithmetic3A_519 : vector<16xi32>
    %swap3A_521 = arith.constant 2 : i32
    %swap3A_522 = arith.index_cast %swap3A_521 : i32 to index
    %swap3A_523 = arith.constant 16 : index
    %swap3A_524 = tpu.vector_load %arg9[%swap3A_522, %swap3A_523] {strides = array<i32>} : memref<4x128xi32, #tpu.memory_space<vmem>>, vector<1x16xi32>,
    %swap3A_525 = vector.shape_cast %swap3A_524 : vector<1x16xi32> to vector<16xi32>
    %swap3A_526 = vector.shape_cast %shift_right_arithmetic3A_520 : vector<16xi32> to vector<1x16xi32>
    tpu.vector_store %arg9[%swap3A_522, %swap3A_523], %swap3A_526 {strides = array<i32>} : memref<4x128xi32, #tpu.memory_space<vmem>>, vector<1x16xi32>,
    %get3A_527 = arith.constant 2 : i32
    %get3A_528 = arith.index_cast %get3A_527 : i32 to index
    %get3A_529 = arith.constant 32 : index
    %get3A_530 = tpu.vector_load %arg8[%get3A_528, %get3A_529] {strides = array<i32>} : memref<4x128xi32, #tpu.memory_space<vmem>>, vector<1x16xi32>,
    %get3A_531 = vector.shape_cast %get3A_530 : vector<1x16xi32> to vector<16xi32>
    %shift_right_arithmetic3A_532 = arith.constant 3 : i32
    %shift_right_arithmetic3A_533 = vector.broadcast %shift_right_arithmetic3A_532 : i32 to vector<16xi32>
    %shift_right_arithmetic3A_534 = arith.shrsi %get3A_531, %shift_right_arithmetic3A_533 : vector<16xi32>
    %swap3A_535 = arith.constant 2 : i32
    %swap3A_536 = arith.index_cast %swap3A_535 : i32 to index
    %swap3A_537 = arith.constant 32 : index
    %swap3A_538 = tpu.vector_load %arg8[%swap3A_536, %swap3A_537] {strides = array<i32>} : memref<4x128xi32, #tpu.memory_space<vmem>>, vector<1x16xi32>,
    %swap3A_539 = vector.shape_cast %swap3A_538 : vector<1x16xi32> to vector<16xi32>
    %swap3A_540 = vector.shape_cast %shift_right_arithmetic3A_534 : vector<16xi32> to vector<1x16xi32>
    tpu.vector_store %arg8[%swap3A_536, %swap3A_537], %swap3A_540 {strides = array<i32>} : memref<4x128xi32, #tpu.memory_space<vmem>>, vector<1x16xi32>,
    %get3A_541 = arith.constant 2 : i32
    %get3A_542 = arith.index_cast %get3A_541 : i32 to index
    %get3A_543 = arith.constant 32 : index
    %get3A_544 = tpu.vector_load %arg9[%get3A_542, %get3A_543] {strides = array<i32>} : memref<4x128xi32, #tpu.memory_space<vmem>>, vector<1x16xi32>,
    %get3A_545 = vector.shape_cast %get3A_544 : vector<1x16xi32> to vector<16xi32>
    %shift_right_arithmetic3A_546 = arith.constant 3 : i32
    %shift_right_arithmetic3A_547 = vector.broadcast %shift_right_arithmetic3A_546 : i32 to vector<16xi32>
    %shift_right_arithmetic3A_548 = arith.shrsi %get3A_545, %shift_right_arithmetic3A_547 : vector<16xi32>
    %swap3A_549 = arith.constant 2 : i32
    %swap3A_550 = arith.index_cast %swap3A_549 : i32 to index
    %swap3A_551 = arith.constant 32 : index
    %swap3A_552 = tpu.vector_load %arg9[%swap3A_550, %swap3A_551] {strides = array<i32>} : memref<4x128xi32, #tpu.memory_space<vmem>>, vector<1x16xi32>,
    %swap3A_553 = vector.shape_cast %swap3A_552 : vector<1x16xi32> to vector<16xi32>
    %swap3A_554 = vector.shape_cast %shift_right_arithmetic3A_548 : vector<16xi32> to vector<1x16xi32>
    tpu.vector_store %arg9[%swap3A_550, %swap3A_551], %swap3A_554 {strides = array<i32>} : memref<4x128xi32, #tpu.memory_space<vmem>>, vector<1x16xi32>,
    %get3A_555 = arith.constant 2 : i32
    %get3A_556 = arith.index_cast %get3A_555 : i32 to index
    %get3A_557 = arith.constant 48 : index
    %get3A_558 = tpu.vector_load %arg8[%get3A_556, %get3A_557] {strides = array<i32>} : memref<4x128xi32, #tpu.memory_space<vmem>>, vector<1x16xi32>,
    %get3A_559 = vector.shape_cast %get3A_558 : vector<1x16xi32> to vector<16xi32>
    %shift_right_arithmetic3A_560 = arith.constant 3 : i32
    %shift_right_arithmetic3A_561 = vector.broadcast %shift_right_arithmetic3A_560 : i32 to vector<16xi32>
    %shift_right_arithmetic3A_562 = arith.shrsi %get3A_559, %shift_right_arithmetic3A_561 : vector<16xi32>
    %swap3A_563 = arith.constant 2 : i32
    %swap3A_564 = arith.index_cast %swap3A_563 : i32 to index
    %swap3A_565 = arith.constant 48 : index
    %swap3A_566 = tpu.vector_load %arg8[%swap3A_564, %swap3A_565] {strides = array<i32>} : memref<4x128xi32, #tpu.memory_space<vmem>>, vector<1x16xi32>,
    %swap3A_567 = vector.shape_cast %swap3A_566 : vector<1x16xi32> to vector<16xi32>
    %swap3A_568 = vector.shape_cast %shift_right_arithmetic3A_562 : vector<16xi32> to vector<1x16xi32>
    tpu.vector_store %arg8[%swap3A_564, %swap3A_565], %swap3A_568 {strides = array<i32>} : memref<4x128xi32, #tpu.memory_space<vmem>>, vector<1x16xi32>,
    %get3A_569 = arith.constant 2 : i32
    %get3A_570 = arith.index_cast %get3A_569 : i32 to index
    %get3A_571 = arith.constant 48 : index
    %get3A_572 = tpu.vector_load %arg9[%get3A_570, %get3A_571] {strides = array<i32>} : memref<4x128xi32, #tpu.memory_space<vmem>>, vector<1x16xi32>,
    %get3A_573 = vector.shape_cast %get3A_572 : vector<1x16xi32> to vector<16xi32>
    %shift_right_arithmetic3A_574 = arith.constant 3 : i32
    %shift_right_arithmetic3A_575 = vector.broadcast %shift_right_arithmetic3A_574 : i32 to vector<16xi32>
    %shift_right_arithmetic3A_576 = arith.shrsi %get3A_573, %shift_right_arithmetic3A_575 : vector<16xi32>
    %swap3A_577 = arith.constant 2 : i32
    %swap3A_578 = arith.index_cast %swap3A_577 : i32 to index
    %swap3A_579 = arith.constant 48 : index
    %swap3A_580 = tpu.vector_load %arg9[%swap3A_578, %swap3A_579] {strides = array<i32>} : memref<4x128xi32, #tpu.memory_space<vmem>>, vector<1x16xi32>,
    %swap3A_581 = vector.shape_cast %swap3A_580 : vector<1x16xi32> to vector<16xi32>
    %swap3A_582 = vector.shape_cast %shift_right_arithmetic3A_576 : vector<16xi32> to vector<1x16xi32>
    tpu.vector_store %arg9[%swap3A_578, %swap3A_579], %swap3A_582 {strides = array<i32>} : memref<4x128xi32, #tpu.memory_space<vmem>>, vector<1x16xi32>,
    %get3A_583 = arith.constant 2 : i32
    %get3A_584 = arith.index_cast %get3A_583 : i32 to index
    %get3A_585 = arith.constant 64 : index
    %get3A_586 = tpu.vector_load %arg8[%get3A_584, %get3A_585] {strides = array<i32>} : memref<4x128xi32, #tpu.memory_space<vmem>>, vector<1x16xi32>,
    %get3A_587 = vector.shape_cast %get3A_586 : vector<1x16xi32> to vector<16xi32>
    %shift_right_arithmetic3A_588 = arith.constant 3 : i32
    %shift_right_arithmetic3A_589 = vector.broadcast %shift_right_arithmetic3A_588 : i32 to vector<16xi32>
    %shift_right_arithmetic3A_590 = arith.shrsi %get3A_587, %shift_right_arithmetic3A_589 : vector<16xi32>
    %swap3A_591 = arith.constant 2 : i32
    %swap3A_592 = arith.index_cast %swap3A_591 : i32 to index
    %swap3A_593 = arith.constant 64 : index
    %swap3A_594 = tpu.vector_load %arg8[%swap3A_592, %swap3A_593] {strides = array<i32>} : memref<4x128xi32, #tpu.memory_space<vmem>>, vector<1x16xi32>,
    %swap3A_595 = vector.shape_cast %swap3A_594 : vector<1x16xi32> to vector<16xi32>
    %swap3A_596 = vector.shape_cast %shift_right_arithmetic3A_590 : vector<16xi32> to vector<1x16xi32>
    tpu.vector_store %arg8[%swap3A_592, %swap3A_593], %swap3A_596 {strides = array<i32>} : memref<4x128xi32, #tpu.memory_space<vmem>>, vector<1x16xi32>,
    %get3A_597 = arith.constant 2 : i32
    %get3A_598 = arith.index_cast %get3A_597 : i32 to index
    %get3A_599 = arith.constant 64 : index
    %get3A_600 = tpu.vector_load %arg9[%get3A_598, %get3A_599] {strides = array<i32>} : memref<4x128xi32, #tpu.memory_space<vmem>>, vector<1x16xi32>,
    %get3A_601 = vector.shape_cast %get3A_600 : vector<1x16xi32> to vector<16xi32>
    %shift_right_arithmetic3A_602 = arith.constant 3 : i32
    %shift_right_arithmetic3A_603 = vector.broadcast %shift_right_arithmetic3A_602 : i32 to vector<16xi32>
    %shift_right_arithmetic3A_604 = arith.shrsi %get3A_601, %shift_right_arithmetic3A_603 : vector<16xi32>
    %swap3A_605 = arith.constant 2 : i32
    %swap3A_606 = arith.index_cast %swap3A_605 : i32 to index
    %swap3A_607 = arith.constant 64 : index
    %swap3A_608 = tpu.vector_load %arg9[%swap3A_606, %swap3A_607] {strides = array<i32>} : memref<4x128xi32, #tpu.memory_space<vmem>>, vector<1x16xi32>,
    %swap3A_609 = vector.shape_cast %swap3A_608 : vector<1x16xi32> to vector<16xi32>
    %swap3A_610 = vector.shape_cast %shift_right_arithmetic3A_604 : vector<16xi32> to vector<1x16xi32>
    tpu.vector_store %arg9[%swap3A_606, %swap3A_607], %swap3A_610 {strides = array<i32>} : memref<4x128xi32, #tpu.memory_space<vmem>>, vector<1x16xi32>,
    %get3A_611 = arith.constant 2 : i32
    %get3A_612 = arith.index_cast %get3A_611 : i32 to index
    %get3A_613 = arith.constant 80 : index
    %get3A_614 = tpu.vector_load %arg8[%get3A_612, %get3A_613] {strides = array<i32>} : memref<4x128xi32, #tpu.memory_space<vmem>>, vector<1x16xi32>,
    %get3A_615 = vector.shape_cast %get3A_614 : vector<1x16xi32> to vector<16xi32>
    %shift_right_arithmetic3A_616 = arith.constant 3 : i32
    %shift_right_arithmetic3A_617 = vector.broadcast %shift_right_arithmetic3A_616 : i32 to vector<16xi32>
    %shift_right_arithmetic3A_618 = arith.shrsi %get3A_615, %shift_right_arithmetic3A_617 : vector<16xi32>
    %swap3A_619 = arith.constant 2 : i32
    %swap3A_620 = arith.index_cast %swap3A_619 : i32 to index
    %swap3A_621 = arith.constant 80 : index
    %swap3A_622 = tpu.vector_load %arg8[%swap3A_620, %swap3A_621] {strides = array<i32>} : memref<4x128xi32, #tpu.memory_space<vmem>>, vector<1x16xi32>,
    %swap3A_623 = vector.shape_cast %swap3A_622 : vector<1x16xi32> to vector<16xi32>
    %swap3A_624 = vector.shape_cast %shift_right_arithmetic3A_618 : vector<16xi32> to vector<1x16xi32>
    tpu.vector_store %arg8[%swap3A_620, %swap3A_621], %swap3A_624 {strides = array<i32>} : memref<4x128xi32, #tpu.memory_space<vmem>>, vector<1x16xi32>,
    %get3A_625 = arith.constant 2 : i32
    %get3A_626 = arith.index_cast %get3A_625 : i32 to index
    %get3A_627 = arith.constant 80 : index
    %get3A_628 = tpu.vector_load %arg9[%get3A_626, %get3A_627] {strides = array<i32>} : memref<4x128xi32, #tpu.memory_space<vmem>>, vector<1x16xi32>,
    %get3A_629 = vector.shape_cast %get3A_628 : vector<1x16xi32> to vector<16xi32>
    %shift_right_arithmetic3A_630 = arith.constant 3 : i32
    %shift_right_arithmetic3A_631 = vector.broadcast %shift_right_arithmetic3A_630 : i32 to vector<16xi32>
    %shift_right_arithmetic3A_632 = arith.shrsi %get3A_629, %shift_right_arithmetic3A_631 : vector<16xi32>
    %swap3A_633 = arith.constant 2 : i32
    %swap3A_634 = arith.index_cast %swap3A_633 : i32 to index
    %swap3A_635 = arith.constant 80 : index
    %swap3A_636 = tpu.vector_load %arg9[%swap3A_634, %swap3A_635] {strides = array<i32>} : memref<4x128xi32, #tpu.memory_space<vmem>>, vector<1x16xi32>,
    %swap3A_637 = vector.shape_cast %swap3A_636 : vector<1x16xi32> to vector<16xi32>
    %swap3A_638 = vector.shape_cast %shift_right_arithmetic3A_632 : vector<16xi32> to vector<1x16xi32>
    tpu.vector_store %arg9[%swap3A_634, %swap3A_635], %swap3A_638 {strides = array<i32>} : memref<4x128xi32, #tpu.memory_space<vmem>>, vector<1x16xi32>,
    %get3A_639 = arith.constant 2 : i32
    %get3A_640 = arith.index_cast %get3A_639 : i32 to index
    %get3A_641 = arith.constant 96 : index
    %get3A_642 = tpu.vector_load %arg8[%get3A_640, %get3A_641] {strides = array<i32>} : memref<4x128xi32, #tpu.memory_space<vmem>>, vector<1x16xi32>,
    %get3A_643 = vector.shape_cast %get3A_642 : vector<1x16xi32> to vector<16xi32>
    %shift_right_arithmetic3A_644 = arith.constant 3 : i32
    %shift_right_arithmetic3A_645 = vector.broadcast %shift_right_arithmetic3A_644 : i32 to vector<16xi32>
    %shift_right_arithmetic3A_646 = arith.shrsi %get3A_643, %shift_right_arithmetic3A_645 : vector<16xi32>
    %swap3A_647 = arith.constant 2 : i32
    %swap3A_648 = arith.index_cast %swap3A_647 : i32 to index
    %swap3A_649 = arith.constant 96 : index
    %swap3A_650 = tpu.vector_load %arg8[%swap3A_648, %swap3A_649] {strides = array<i32>} : memref<4x128xi32, #tpu.memory_space<vmem>>, vector<1x16xi32>,
    %swap3A_651 = vector.shape_cast %swap3A_650 : vector<1x16xi32> to vector<16xi32>
    %swap3A_652 = vector.shape_cast %shift_right_arithmetic3A_646 : vector<16xi32> to vector<1x16xi32>
    tpu.vector_store %arg8[%swap3A_648, %swap3A_649], %swap3A_652 {strides = array<i32>} : memref<4x128xi32, #tpu.memory_space<vmem>>, vector<1x16xi32>,
    %get3A_653 = arith.constant 2 : i32
    %get3A_654 = arith.index_cast %get3A_653 : i32 to index
    %get3A_655 = arith.constant 96 : index
    %get3A_656 = tpu.vector_load %arg9[%get3A_654, %get3A_655] {strides = array<i32>} : memref<4x128xi32, #tpu.memory_space<vmem>>, vector<1x16xi32>,
    %get3A_657 = vector.shape_cast %get3A_656 : vector<1x16xi32> to vector<16xi32>
    %shift_right_arithmetic3A_658 = arith.constant 3 : i32
    %shift_right_arithmetic3A_659 = vector.broadcast %shift_right_arithmetic3A_658 : i32 to vector<16xi32>
    %shift_right_arithmetic3A_660 = arith.shrsi %get3A_657, %shift_right_arithmetic3A_659 : vector<16xi32>
    %swap3A_661 = arith.constant 2 : i32
    %swap3A_662 = arith.index_cast %swap3A_661 : i32 to index
    %swap3A_663 = arith.constant 96 : index
    %swap3A_664 = tpu.vector_load %arg9[%swap3A_662, %swap3A_663] {strides = array<i32>} : memref<4x128xi32, #tpu.memory_space<vmem>>, vector<1x16xi32>,
    %swap3A_665 = vector.shape_cast %swap3A_664 : vector<1x16xi32> to vector<16xi32>
    %swap3A_666 = vector.shape_cast %shift_right_arithmetic3A_660 : vector<16xi32> to vector<1x16xi32>
    tpu.vector_store %arg9[%swap3A_662, %swap3A_663], %swap3A_666 {strides = array<i32>} : memref<4x128xi32, #tpu.memory_space<vmem>>, vector<1x16xi32>,
    %get3A_667 = arith.constant 2 : i32
    %get3A_668 = arith.index_cast %get3A_667 : i32 to index
    %get3A_669 = arith.constant 112 : index
    %get3A_670 = tpu.vector_load %arg8[%get3A_668, %get3A_669] {strides = array<i32>} : memref<4x128xi32, #tpu.memory_space<vmem>>, vector<1x16xi32>,
    %get3A_671 = vector.shape_cast %get3A_670 : vector<1x16xi32> to vector<16xi32>
    %shift_right_arithmetic3A_672 = arith.constant 3 : i32
    %shift_right_arithmetic3A_673 = vector.broadcast %shift_right_arithmetic3A_672 : i32 to vector<16xi32>
    %shift_right_arithmetic3A_674 = arith.shrsi %get3A_671, %shift_right_arithmetic3A_673 : vector<16xi32>
    %swap3A_675 = arith.constant 2 : i32
    %swap3A_676 = arith.index_cast %swap3A_675 : i32 to index
    %swap3A_677 = arith.constant 112 : index
    %swap3A_678 = tpu.vector_load %arg8[%swap3A_676, %swap3A_677] {strides = array<i32>} : memref<4x128xi32, #tpu.memory_space<vmem>>, vector<1x16xi32>,
    %swap3A_679 = vector.shape_cast %swap3A_678 : vector<1x16xi32> to vector<16xi32>
    %swap3A_680 = vector.shape_cast %shift_right_arithmetic3A_674 : vector<16xi32> to vector<1x16xi32>
    tpu.vector_store %arg8[%swap3A_676, %swap3A_677], %swap3A_680 {strides = array<i32>} : memref<4x128xi32, #tpu.memory_space<vmem>>, vector<1x16xi32>,
    %get3A_681 = arith.constant 2 : i32
    %get3A_682 = arith.index_cast %get3A_681 : i32 to index
    %get3A_683 = arith.constant 112 : index
    %get3A_684 = tpu.vector_load %arg9[%get3A_682, %get3A_683] {strides = array<i32>} : memref<4x128xi32, #tpu.memory_space<vmem>>, vector<1x16xi32>,
    %get3A_685 = vector.shape_cast %get3A_684 : vector<1x16xi32> to vector<16xi32>
    %shift_right_arithmetic3A_686 = arith.constant 3 : i32
    %shift_right_arithmetic3A_687 = vector.broadcast %shift_right_arithmetic3A_686 : i32 to vector<16xi32>
    %shift_right_arithmetic3A_688 = arith.shrsi %get3A_685, %shift_right_arithmetic3A_687 : vector<16xi32>
    %swap3A_689 = arith.constant 2 : i32
    %swap3A_690 = arith.index_cast %swap3A_689 : i32 to index
    %swap3A_691 = arith.constant 112 : index
    %swap3A_692 = tpu.vector_load %arg9[%swap3A_690, %swap3A_691] {strides = array<i32>} : memref<4x128xi32, #tpu.memory_space<vmem>>, vector<1x16xi32>,
    %swap3A_693 = vector.shape_cast %swap3A_692 : vector<1x16xi32> to vector<16xi32>
    %swap3A_694 = vector.shape_cast %shift_right_arithmetic3A_688 : vector<16xi32> to vector<1x16xi32>
    tpu.vector_store %arg9[%swap3A_690, %swap3A_691], %swap3A_694 {strides = array<i32>} : memref<4x128xi32, #tpu.memory_space<vmem>>, vector<1x16xi32>,
    %get3A_695 = arith.constant 3 : i32
    %get3A_696 = arith.index_cast %get3A_695 : i32 to index
    %get3A_697 = arith.constant 0 : index
    %get3A_698 = tpu.vector_load %arg8[%get3A_696, %get3A_697] {strides = array<i32>} : memref<4x128xi32, #tpu.memory_space<vmem>>, vector<1x16xi32>,
    %get3A_699 = vector.shape_cast %get3A_698 : vector<1x16xi32> to vector<16xi32>
    %shift_right_arithmetic3A_700 = arith.constant 3 : i32
    %shift_right_arithmetic3A_701 = vector.broadcast %shift_right_arithmetic3A_700 : i32 to vector<16xi32>
    %shift_right_arithmetic3A_702 = arith.shrsi %get3A_699, %shift_right_arithmetic3A_701 : vector<16xi32>
    %swap3A_703 = arith.constant 3 : i32
    %swap3A_704 = arith.index_cast %swap3A_703 : i32 to index
    %swap3A_705 = arith.constant 0 : index
    %swap3A_706 = tpu.vector_load %arg8[%swap3A_704, %swap3A_705] {strides = array<i32>} : memref<4x128xi32, #tpu.memory_space<vmem>>, vector<1x16xi32>,
    %swap3A_707 = vector.shape_cast %swap3A_706 : vector<1x16xi32> to vector<16xi32>
    %swap3A_708 = vector.shape_cast %shift_right_arithmetic3A_702 : vector<16xi32> to vector<1x16xi32>
    tpu.vector_store %arg8[%swap3A_704, %swap3A_705], %swap3A_708 {strides = array<i32>} : memref<4x128xi32, #tpu.memory_space<vmem>>, vector<1x16xi32>,
    %get3A_709 = arith.constant 3 : i32
    %get3A_710 = arith.index_cast %get3A_709 : i32 to index
    %get3A_711 = arith.constant 0 : index
    %get3A_712 = tpu.vector_load %arg9[%get3A_710, %get3A_711] {strides = array<i32>} : memref<4x128xi32, #tpu.memory_space<vmem>>, vector<1x16xi32>,
    %get3A_713 = vector.shape_cast %get3A_712 : vector<1x16xi32> to vector<16xi32>
    %shift_right_arithmetic3A_714 = arith.constant 3 : i32
    %shift_right_arithmetic3A_715 = vector.broadcast %shift_right_arithmetic3A_714 : i32 to vector<16xi32>
    %shift_right_arithmetic3A_716 = arith.shrsi %get3A_713, %shift_right_arithmetic3A_715 : vector<16xi32>
    %swap3A_717 = arith.constant 3 : i32
    %swap3A_718 = arith.index_cast %swap3A_717 : i32 to index
    %swap3A_719 = arith.constant 0 : index
    %swap3A_720 = tpu.vector_load %arg9[%swap3A_718, %swap3A_719] {strides = array<i32>} : memref<4x128xi32, #tpu.memory_space<vmem>>, vector<1x16xi32>,
    %swap3A_721 = vector.shape_cast %swap3A_720 : vector<1x16xi32> to vector<16xi32>
    %swap3A_722 = vector.shape_cast %shift_right_arithmetic3A_716 : vector<16xi32> to vector<1x16xi32>
    tpu.vector_store %arg9[%swap3A_718, %swap3A_719], %swap3A_722 {strides = array<i32>} : memref<4x128xi32, #tpu.memory_space<vmem>>, vector<1x16xi32>,
    %get3A_723 = arith.constant 3 : i32
    %get3A_724 = arith.index_cast %get3A_723 : i32 to index
    %get3A_725 = arith.constant 16 : index
    %get3A_726 = tpu.vector_load %arg8[%get3A_724, %get3A_725] {strides = array<i32>} : memref<4x128xi32, #tpu.memory_space<vmem>>, vector<1x16xi32>,
    %get3A_727 = vector.shape_cast %get3A_726 : vector<1x16xi32> to vector<16xi32>
    %shift_right_arithmetic3A_728 = arith.constant 3 : i32
    %shift_right_arithmetic3A_729 = vector.broadcast %shift_right_arithmetic3A_728 : i32 to vector<16xi32>
    %shift_right_arithmetic3A_730 = arith.shrsi %get3A_727, %shift_right_arithmetic3A_729 : vector<16xi32>
    %swap3A_731 = arith.constant 3 : i32
    %swap3A_732 = arith.index_cast %swap3A_731 : i32 to index
    %swap3A_733 = arith.constant 16 : index
    %swap3A_734 = tpu.vector_load %arg8[%swap3A_732, %swap3A_733] {strides = array<i32>} : memref<4x128xi32, #tpu.memory_space<vmem>>, vector<1x16xi32>,
    %swap3A_735 = vector.shape_cast %swap3A_734 : vector<1x16xi32> to vector<16xi32>
    %swap3A_736 = vector.shape_cast %shift_right_arithmetic3A_730 : vector<16xi32> to vector<1x16xi32>
    tpu.vector_store %arg8[%swap3A_732, %swap3A_733], %swap3A_736 {strides = array<i32>} : memref<4x128xi32, #tpu.memory_space<vmem>>, vector<1x16xi32>,
    %get3A_737 = arith.constant 3 : i32
    %get3A_738 = arith.index_cast %get3A_737 : i32 to index
    %get3A_739 = arith.constant 16 : index
    %get3A_740 = tpu.vector_load %arg9[%get3A_738, %get3A_739] {strides = array<i32>} : memref<4x128xi32, #tpu.memory_space<vmem>>, vector<1x16xi32>,
    %get3A_741 = vector.shape_cast %get3A_740 : vector<1x16xi32> to vector<16xi32>
    %shift_right_arithmetic3A_742 = arith.constant 3 : i32
    %shift_right_arithmetic3A_743 = vector.broadcast %shift_right_arithmetic3A_742 : i32 to vector<16xi32>
    %shift_right_arithmetic3A_744 = arith.shrsi %get3A_741, %shift_right_arithmetic3A_743 : vector<16xi32>
    %swap3A_745 = arith.constant 3 : i32
    %swap3A_746 = arith.index_cast %swap3A_745 : i32 to index
    %swap3A_747 = arith.constant 16 : index
    %swap3A_748 = tpu.vector_load %arg9[%swap3A_746, %swap3A_747] {strides = array<i32>} : memref<4x128xi32, #tpu.memory_space<vmem>>, vector<1x16xi32>,
    %swap3A_749 = vector.shape_cast %swap3A_748 : vector<1x16xi32> to vector<16xi32>
    %swap3A_750 = vector.shape_cast %shift_right_arithmetic3A_744 : vector<16xi32> to vector<1x16xi32>
    tpu.vector_store %arg9[%swap3A_746, %swap3A_747], %swap3A_750 {strides = array<i32>} : memref<4x128xi32, #tpu.memory_space<vmem>>, vector<1x16xi32>,
    %get3A_751 = arith.constant 3 : i32
    %get3A_752 = arith.index_cast %get3A_751 : i32 to index
    %get3A_753 = arith.constant 32 : index
    %get3A_754 = tpu.vector_load %arg8[%get3A_752, %get3A_753] {strides = array<i32>} : memref<4x128xi32, #tpu.memory_space<vmem>>, vector<1x16xi32>,
    %get3A_755 = vector.shape_cast %get3A_754 : vector<1x16xi32> to vector<16xi32>
    %shift_right_arithmetic3A_756 = arith.constant 3 : i32
    %shift_right_arithmetic3A_757 = vector.broadcast %shift_right_arithmetic3A_756 : i32 to vector<16xi32>
    %shift_right_arithmetic3A_758 = arith.shrsi %get3A_755, %shift_right_arithmetic3A_757 : vector<16xi32>
    %swap3A_759 = arith.constant 3 : i32
    %swap3A_760 = arith.index_cast %swap3A_759 : i32 to index
    %swap3A_761 = arith.constant 32 : index
    %swap3A_762 = tpu.vector_load %arg8[%swap3A_760, %swap3A_761] {strides = array<i32>} : memref<4x128xi32, #tpu.memory_space<vmem>>, vector<1x16xi32>,
    %swap3A_763 = vector.shape_cast %swap3A_762 : vector<1x16xi32> to vector<16xi32>
    %swap3A_764 = vector.shape_cast %shift_right_arithmetic3A_758 : vector<16xi32> to vector<1x16xi32>
    tpu.vector_store %arg8[%swap3A_760, %swap3A_761], %swap3A_764 {strides = array<i32>} : memref<4x128xi32, #tpu.memory_space<vmem>>, vector<1x16xi32>,
    %get3A_765 = arith.constant 3 : i32
    %get3A_766 = arith.index_cast %get3A_765 : i32 to index
    %get3A_767 = arith.constant 32 : index
    %get3A_768 = tpu.vector_load %arg9[%get3A_766, %get3A_767] {strides = array<i32>} : memref<4x128xi32, #tpu.memory_space<vmem>>, vector<1x16xi32>,
    %get3A_769 = vector.shape_cast %get3A_768 : vector<1x16xi32> to vector<16xi32>
    %shift_right_arithmetic3A_770 = arith.constant 3 : i32
    %shift_right_arithmetic3A_771 = vector.broadcast %shift_right_arithmetic3A_770 : i32 to vector<16xi32>
    %shift_right_arithmetic3A_772 = arith.shrsi %get3A_769, %shift_right_arithmetic3A_771 : vector<16xi32>
    %swap3A_773 = arith.constant 3 : i32
    %swap3A_774 = arith.index_cast %swap3A_773 : i32 to index
    %swap3A_775 = arith.constant 32 : index
    %swap3A_776 = tpu.vector_load %arg9[%swap3A_774, %swap3A_775] {strides = array<i32>} : memref<4x128xi32, #tpu.memory_space<vmem>>, vector<1x16xi32>,
    %swap3A_777 = vector.shape_cast %swap3A_776 : vector<1x16xi32> to vector<16xi32>
    %swap3A_778 = vector.shape_cast %shift_right_arithmetic3A_772 : vector<16xi32> to vector<1x16xi32>
    tpu.vector_store %arg9[%swap3A_774, %swap3A_775], %swap3A_778 {strides = array<i32>} : memref<4x128xi32, #tpu.memory_space<vmem>>, vector<1x16xi32>,
    %get3A_779 = arith.constant 3 : i32
    %get3A_780 = arith.index_cast %get3A_779 : i32 to index
    %get3A_781 = arith.constant 48 : index
    %get3A_782 = tpu.vector_load %arg8[%get3A_780, %get3A_781] {strides = array<i32>} : memref<4x128xi32, #tpu.memory_space<vmem>>, vector<1x16xi32>,
    %get3A_783 = vector.shape_cast %get3A_782 : vector<1x16xi32> to vector<16xi32>
    %shift_right_arithmetic3A_784 = arith.constant 3 : i32
    %shift_right_arithmetic3A_785 = vector.broadcast %shift_right_arithmetic3A_784 : i32 to vector<16xi32>
    %shift_right_arithmetic3A_786 = arith.shrsi %get3A_783, %shift_right_arithmetic3A_785 : vector<16xi32>
    %swap3A_787 = arith.constant 3 : i32
    %swap3A_788 = arith.index_cast %swap3A_787 : i32 to index
    %swap3A_789 = arith.constant 48 : index
    %swap3A_790 = tpu.vector_load %arg8[%swap3A_788, %swap3A_789] {strides = array<i32>} : memref<4x128xi32, #tpu.memory_space<vmem>>, vector<1x16xi32>,
    %swap3A_791 = vector.shape_cast %swap3A_790 : vector<1x16xi32> to vector<16xi32>
    %swap3A_792 = vector.shape_cast %shift_right_arithmetic3A_786 : vector<16xi32> to vector<1x16xi32>
    tpu.vector_store %arg8[%swap3A_788, %swap3A_789], %swap3A_792 {strides = array<i32>} : memref<4x128xi32, #tpu.memory_space<vmem>>, vector<1x16xi32>,
    %get3A_793 = arith.constant 3 : i32
    %get3A_794 = arith.index_cast %get3A_793 : i32 to index
    %get3A_795 = arith.constant 48 : index
    %get3A_796 = tpu.vector_load %arg9[%get3A_794, %get3A_795] {strides = array<i32>} : memref<4x128xi32, #tpu.memory_space<vmem>>, vector<1x16xi32>,
    %get3A_797 = vector.shape_cast %get3A_796 : vector<1x16xi32> to vector<16xi32>
    %shift_right_arithmetic3A_798 = arith.constant 3 : i32
    %shift_right_arithmetic3A_799 = vector.broadcast %shift_right_arithmetic3A_798 : i32 to vector<16xi32>
    %shift_right_arithmetic3A_800 = arith.shrsi %get3A_797, %shift_right_arithmetic3A_799 : vector<16xi32>
    %swap3A_801 = arith.constant 3 : i32
    %swap3A_802 = arith.index_cast %swap3A_801 : i32 to index
    %swap3A_803 = arith.constant 48 : index
    %swap3A_804 = tpu.vector_load %arg9[%swap3A_802, %swap3A_803] {strides = array<i32>} : memref<4x128xi32, #tpu.memory_space<vmem>>, vector<1x16xi32>,
    %swap3A_805 = vector.shape_cast %swap3A_804 : vector<1x16xi32> to vector<16xi32>
    %swap3A_806 = vector.shape_cast %shift_right_arithmetic3A_800 : vector<16xi32> to vector<1x16xi32>
    tpu.vector_store %arg9[%swap3A_802, %swap3A_803], %swap3A_806 {strides = array<i32>} : memref<4x128xi32, #tpu.memory_space<vmem>>, vector<1x16xi32>,
    %get3A_807 = arith.constant 3 : i32
    %get3A_808 = arith.index_cast %get3A_807 : i32 to index
    %get3A_809 = arith.constant 64 : index
    %get3A_810 = tpu.vector_load %arg8[%get3A_808, %get3A_809] {strides = array<i32>} : memref<4x128xi32, #tpu.memory_space<vmem>>, vector<1x16xi32>,
    %get3A_811 = vector.shape_cast %get3A_810 : vector<1x16xi32> to vector<16xi32>
    %shift_right_arithmetic3A_812 = arith.constant 3 : i32
    %shift_right_arithmetic3A_813 = vector.broadcast %shift_right_arithmetic3A_812 : i32 to vector<16xi32>
    %shift_right_arithmetic3A_814 = arith.shrsi %get3A_811, %shift_right_arithmetic3A_813 : vector<16xi32>
    %swap3A_815 = arith.constant 3 : i32
    %swap3A_816 = arith.index_cast %swap3A_815 : i32 to index
    %swap3A_817 = arith.constant 64 : index
    %swap3A_818 = tpu.vector_load %arg8[%swap3A_816, %swap3A_817] {strides = array<i32>} : memref<4x128xi32, #tpu.memory_space<vmem>>, vector<1x16xi32>,
    %swap3A_819 = vector.shape_cast %swap3A_818 : vector<1x16xi32> to vector<16xi32>
    %swap3A_820 = vector.shape_cast %shift_right_arithmetic3A_814 : vector<16xi32> to vector<1x16xi32>
    tpu.vector_store %arg8[%swap3A_816, %swap3A_817], %swap3A_820 {strides = array<i32>} : memref<4x128xi32, #tpu.memory_space<vmem>>, vector<1x16xi32>,
    %get3A_821 = arith.constant 3 : i32
    %get3A_822 = arith.index_cast %get3A_821 : i32 to index
    %get3A_823 = arith.constant 64 : index
    %get3A_824 = tpu.vector_load %arg9[%get3A_822, %get3A_823] {strides = array<i32>} : memref<4x128xi32, #tpu.memory_space<vmem>>, vector<1x16xi32>,
    %get3A_825 = vector.shape_cast %get3A_824 : vector<1x16xi32> to vector<16xi32>
    %shift_right_arithmetic3A_826 = arith.constant 3 : i32
    %shift_right_arithmetic3A_827 = vector.broadcast %shift_right_arithmetic3A_826 : i32 to vector<16xi32>
    %shift_right_arithmetic3A_828 = arith.shrsi %get3A_825, %shift_right_arithmetic3A_827 : vector<16xi32>
    %swap3A_829 = arith.constant 3 : i32
    %swap3A_830 = arith.index_cast %swap3A_829 : i32 to index
    %swap3A_831 = arith.constant 64 : index
    %swap3A_832 = tpu.vector_load %arg9[%swap3A_830, %swap3A_831] {strides = array<i32>} : memref<4x128xi32, #tpu.memory_space<vmem>>, vector<1x16xi32>,
    %swap3A_833 = vector.shape_cast %swap3A_832 : vector<1x16xi32> to vector<16xi32>
    %swap3A_834 = vector.shape_cast %shift_right_arithmetic3A_828 : vector<16xi32> to vector<1x16xi32>
    tpu.vector_store %arg9[%swap3A_830, %swap3A_831], %swap3A_834 {strides = array<i32>} : memref<4x128xi32, #tpu.memory_space<vmem>>, vector<1x16xi32>,
    %get3A_835 = arith.constant 3 : i32
    %get3A_836 = arith.index_cast %get3A_835 : i32 to index
    %get3A_837 = arith.constant 80 : index
    %get3A_838 = tpu.vector_load %arg8[%get3A_836, %get3A_837] {strides = array<i32>} : memref<4x128xi32, #tpu.memory_space<vmem>>, vector<1x16xi32>,
    %get3A_839 = vector.shape_cast %get3A_838 : vector<1x16xi32> to vector<16xi32>
    %shift_right_arithmetic3A_840 = arith.constant 3 : i32
    %shift_right_arithmetic3A_841 = vector.broadcast %shift_right_arithmetic3A_840 : i32 to vector<16xi32>
    %shift_right_arithmetic3A_842 = arith.shrsi %get3A_839, %shift_right_arithmetic3A_841 : vector<16xi32>
    %swap3A_843 = arith.constant 3 : i32
    %swap3A_844 = arith.index_cast %swap3A_843 : i32 to index
    %swap3A_845 = arith.constant 80 : index
    %swap3A_846 = tpu.vector_load %arg8[%swap3A_844, %swap3A_845] {strides = array<i32>} : memref<4x128xi32, #tpu.memory_space<vmem>>, vector<1x16xi32>,
    %swap3A_847 = vector.shape_cast %swap3A_846 : vector<1x16xi32> to vector<16xi32>
    %swap3A_848 = vector.shape_cast %shift_right_arithmetic3A_842 : vector<16xi32> to vector<1x16xi32>
    tpu.vector_store %arg8[%swap3A_844, %swap3A_845], %swap3A_848 {strides = array<i32>} : memref<4x128xi32, #tpu.memory_space<vmem>>, vector<1x16xi32>,
    %get3A_849 = arith.constant 3 : i32
    %get3A_850 = arith.index_cast %get3A_849 : i32 to index
    %get3A_851 = arith.constant 80 : index
    %get3A_852 = tpu.vector_load %arg9[%get3A_850, %get3A_851] {strides = array<i32>} : memref<4x128xi32, #tpu.memory_space<vmem>>, vector<1x16xi32>,
    %get3A_853 = vector.shape_cast %get3A_852 : vector<1x16xi32> to vector<16xi32>
    %shift_right_arithmetic3A_854 = arith.constant 3 : i32
    %shift_right_arithmetic3A_855 = vector.broadcast %shift_right_arithmetic3A_854 : i32 to vector<16xi32>
    %shift_right_arithmetic3A_856 = arith.shrsi %get3A_853, %shift_right_arithmetic3A_855 : vector<16xi32>
    %swap3A_857 = arith.constant 3 : i32
    %swap3A_858 = arith.index_cast %swap3A_857 : i32 to index
    %swap3A_859 = arith.constant 80 : index
    %swap3A_860 = tpu.vector_load %arg9[%swap3A_858, %swap3A_859] {strides = array<i32>} : memref<4x128xi32, #tpu.memory_space<vmem>>, vector<1x16xi32>,
    %swap3A_861 = vector.shape_cast %swap3A_860 : vector<1x16xi32> to vector<16xi32>
    %swap3A_862 = vector.shape_cast %shift_right_arithmetic3A_856 : vector<16xi32> to vector<1x16xi32>
    tpu.vector_store %arg9[%swap3A_858, %swap3A_859], %swap3A_862 {strides = array<i32>} : memref<4x128xi32, #tpu.memory_space<vmem>>, vector<1x16xi32>,
    %get3A_863 = arith.constant 3 : i32
    %get3A_864 = arith.index_cast %get3A_863 : i32 to index
    %get3A_865 = arith.constant 96 : index
    %get3A_866 = tpu.vector_load %arg8[%get3A_864, %get3A_865] {strides = array<i32>} : memref<4x128xi32, #tpu.memory_space<vmem>>, vector<1x16xi32>,
    %get3A_867 = vector.shape_cast %get3A_866 : vector<1x16xi32> to vector<16xi32>
    %shift_right_arithmetic3A_868 = arith.constant 3 : i32
    %shift_right_arithmetic3A_869 = vector.broadcast %shift_right_arithmetic3A_868 : i32 to vector<16xi32>
    %shift_right_arithmetic3A_870 = arith.shrsi %get3A_867, %shift_right_arithmetic3A_869 : vector<16xi32>
    %swap3A_871 = arith.constant 3 : i32
    %swap3A_872 = arith.index_cast %swap3A_871 : i32 to index
    %swap3A_873 = arith.constant 96 : index
    %swap3A_874 = tpu.vector_load %arg8[%swap3A_872, %swap3A_873] {strides = array<i32>} : memref<4x128xi32, #tpu.memory_space<vmem>>, vector<1x16xi32>,
    %swap3A_875 = vector.shape_cast %swap3A_874 : vector<1x16xi32> to vector<16xi32>
    %swap3A_876 = vector.shape_cast %shift_right_arithmetic3A_870 : vector<16xi32> to vector<1x16xi32>
    tpu.vector_store %arg8[%swap3A_872, %swap3A_873], %swap3A_876 {strides = array<i32>} : memref<4x128xi32, #tpu.memory_space<vmem>>, vector<1x16xi32>,
    %get3A_877 = arith.constant 3 : i32
    %get3A_878 = arith.index_cast %get3A_877 : i32 to index
    %get3A_879 = arith.constant 96 : index
    %get3A_880 = tpu.vector_load %arg9[%get3A_878, %get3A_879] {strides = array<i32>} : memref<4x128xi32, #tpu.memory_space<vmem>>, vector<1x16xi32>,
    %get3A_881 = vector.shape_cast %get3A_880 : vector<1x16xi32> to vector<16xi32>
    %shift_right_arithmetic3A_882 = arith.constant 3 : i32
    %shift_right_arithmetic3A_883 = vector.broadcast %shift_right_arithmetic3A_882 : i32 to vector<16xi32>
    %shift_right_arithmetic3A_884 = arith.shrsi %get3A_881, %shift_right_arithmetic3A_883 : vector<16xi32>
    %swap3A_885 = arith.constant 3 : i32
    %swap3A_886 = arith.index_cast %swap3A_885 : i32 to index
    %swap3A_887 = arith.constant 96 : index
    %swap3A_888 = tpu.vector_load %arg9[%swap3A_886, %swap3A_887] {strides = array<i32>} : memref<4x128xi32, #tpu.memory_space<vmem>>, vector<1x16xi32>,
    %swap3A_889 = vector.shape_cast %swap3A_888 : vector<1x16xi32> to vector<16xi32>
    %swap3A_890 = vector.shape_cast %shift_right_arithmetic3A_884 : vector<16xi32> to vector<1x16xi32>
    tpu.vector_store %arg9[%swap3A_886, %swap3A_887], %swap3A_890 {strides = array<i32>} : memref<4x128xi32, #tpu.memory_space<vmem>>, vector<1x16xi32>,
    %get3A_891 = arith.constant 3 : i32
    %get3A_892 = arith.index_cast %get3A_891 : i32 to index
    %get3A_893 = arith.constant 112 : index
    %get3A_894 = tpu.vector_load %arg8[%get3A_892, %get3A_893] {strides = array<i32>} : memref<4x128xi32, #tpu.memory_space<vmem>>, vector<1x16xi32>,
    %get3A_895 = vector.shape_cast %get3A_894 : vector<1x16xi32> to vector<16xi32>
    %shift_right_arithmetic3A_896 = arith.constant 3 : i32
    %shift_right_arithmetic3A_897 = vector.broadcast %shift_right_arithmetic3A_896 : i32 to vector<16xi32>
    %shift_right_arithmetic3A_898 = arith.shrsi %get3A_895, %shift_right_arithmetic3A_897 : vector<16xi32>
    %swap3A_899 = arith.constant 3 : i32
    %swap3A_900 = arith.index_cast %swap3A_899 : i32 to index
    %swap3A_901 = arith.constant 112 : index
    %swap3A_902 = tpu.vector_load %arg8[%swap3A_900, %swap3A_901] {strides = array<i32>} : memref<4x128xi32, #tpu.memory_space<vmem>>, vector<1x16xi32>,
    %swap3A_903 = vector.shape_cast %swap3A_902 : vector<1x16xi32> to vector<16xi32>
    %swap3A_904 = vector.shape_cast %shift_right_arithmetic3A_898 : vector<16xi32> to vector<1x16xi32>
    tpu.vector_store %arg8[%swap3A_900, %swap3A_901], %swap3A_904 {strides = array<i32>} : memref<4x128xi32, #tpu.memory_space<vmem>>, vector<1x16xi32>,
    %get3A_905 = arith.constant 3 : i32
    %get3A_906 = arith.index_cast %get3A_905 : i32 to index
    %get3A_907 = arith.constant 112 : index
    %get3A_908 = tpu.vector_load %arg9[%get3A_906, %get3A_907] {strides = array<i32>} : memref<4x128xi32, #tpu.memory_space<vmem>>, vector<1x16xi32>,
    %get3A_909 = vector.shape_cast %get3A_908 : vector<1x16xi32> to vector<16xi32>
    %shift_right_arithmetic3A_910 = arith.constant 3 : i32
    %shift_right_arithmetic3A_911 = vector.broadcast %shift_right_arithmetic3A_910 : i32 to vector<16xi32>
    %shift_right_arithmetic3A_912 = arith.shrsi %get3A_909, %shift_right_arithmetic3A_911 : vector<16xi32>
    %swap3A_913 = arith.constant 3 : i32
    %swap3A_914 = arith.index_cast %swap3A_913 : i32 to index
    %swap3A_915 = arith.constant 112 : index
    %swap3A_916 = tpu.vector_load %arg9[%swap3A_914, %swap3A_915] {strides = array<i32>} : memref<4x128xi32, #tpu.memory_space<vmem>>, vector<1x16xi32>,
    %swap3A_917 = vector.shape_cast %swap3A_916 : vector<1x16xi32> to vector<16xi32>
    %swap3A_918 = vector.shape_cast %shift_right_arithmetic3A_912 : vector<16xi32> to vector<1x16xi32>
    tpu.vector_store %arg9[%swap3A_914, %swap3A_915], %swap3A_918 {strides = array<i32>} : memref<4x128xi32, #tpu.memory_space<vmem>>, vector<1x16xi32>,
    %dma_start3A = arith.constant 0 : i32
    %dma_start3A_919 = arith.constant 0 : i32
    %dma_start3A_920 = arith.constant 0 : i32
    %dma_start3A_921 = arith.constant 0 : i32
    %dma_start3A_922 = tpu.memref_slice %arg10[%dma_start3A_919, %dma_start3A_920, %dma_start3A_921] : memref<2x128x128xf32, #tpu.memory_space<vmem>> -> memref<1x128x128xf32, #tpu.memory_space<vmem>>
    %dma_start3A_923 = tpu.memref_squeeze %dma_start3A_922 : memref<1x128x128xf32, #tpu.memory_space<vmem>> -> memref<128x128xf32, #tpu.memory_space<vmem>>
    %dma_start3A_924 = arith.constant 0 : i32
    %dma_start3A_925 = tpu.memref_slice %arg8[%dma_start3A, %dma_start3A_924] : memref<4x128xi32, #tpu.memory_space<vmem>> -> memref<1x128xi32, #tpu.memory_space<vmem>>
    %dma_start3A_926 = tpu.memref_squeeze %dma_start3A_925 : memref<1x128xi32, #tpu.memory_space<vmem>> -> memref<128xi32, #tpu.memory_space<vmem>>
    %dma_start3A_927 = arith.constant 0 : i32
    %dma_start3A_928 = arith.constant 0 : i32
    %dma_start3A_929 = tpu.memref_slice %arg4[%dma_start3A_927, %dma_start3A_928] : memref<125000x128xf32, #tpu.memory_space<hbm>> -> memref<125000x128xf32, #tpu.memory_space<hbm>>
    tpu.enqueue_indirect_dma source(%dma_start3A_929 : memref<125000x128xf32, #tpu.memory_space<hbm>>) target(%dma_start3A_923 : memref<128x128xf32, #tpu.memory_space<vmem>>) offsets(%dma_start3A_926 : memref<128xi32, #tpu.memory_space<vmem>>) semaphore(%arg12 : memref<!tpu.dma_semaphore, #tpu.memory_space<semaphore_mem>>)
    %dma_start3A_930 = arith.constant 0 : i32
    %dma_start3A_931 = arith.constant 0 : i32
    %dma_start3A_932 = arith.constant 0 : i32
    %dma_start3A_933 = arith.constant 0 : i32
    %dma_start3A_934 = tpu.memref_slice %arg11[%dma_start3A_931, %dma_start3A_932, %dma_start3A_933] : memref<2x128x128xf32, #tpu.memory_space<vmem>> -> memref<1x128x128xf32, #tpu.memory_space<vmem>>
    %dma_start3A_935 = tpu.memref_squeeze %dma_start3A_934 : memref<1x128x128xf32, #tpu.memory_space<vmem>> -> memref<128x128xf32, #tpu.memory_space<vmem>>
    %dma_start3A_936 = arith.constant 0 : i32
    %dma_start3A_937 = tpu.memref_slice %arg9[%dma_start3A_930, %dma_start3A_936] : memref<4x128xi32, #tpu.memory_space<vmem>> -> memref<1x128xi32, #tpu.memory_space<vmem>>
    %dma_start3A_938 = tpu.memref_squeeze %dma_start3A_937 : memref<1x128xi32, #tpu.memory_space<vmem>> -> memref<128xi32, #tpu.memory_space<vmem>>
    %dma_start3A_939 = arith.constant 0 : i32
    %dma_start3A_940 = arith.constant 0 : i32
    %dma_start3A_941 = tpu.memref_slice %arg5[%dma_start3A_939, %dma_start3A_940] : memref<12500x128xf32, #tpu.memory_space<hbm>> -> memref<12500x128xf32, #tpu.memory_space<hbm>>
    tpu.enqueue_indirect_dma source(%dma_start3A_941 : memref<12500x128xf32, #tpu.memory_space<hbm>>) target(%dma_start3A_935 : memref<128x128xf32, #tpu.memory_space<vmem>>) offsets(%dma_start3A_938 : memref<128xi32, #tpu.memory_space<vmem>>) semaphore(%arg13 : memref<!tpu.dma_semaphore, #tpu.memory_space<semaphore_mem>>)
    %dma_start3A_942 = arith.constant 1 : i32
    %dma_start3A_943 = arith.constant 1 : i32
    %dma_start3A_944 = arith.constant 0 : i32
    %dma_start3A_945 = arith.constant 0 : i32
    %dma_start3A_946 = tpu.memref_slice %arg10[%dma_start3A_943, %dma_start3A_944, %dma_start3A_945] : memref<2x128x128xf32, #tpu.memory_space<vmem>> -> memref<1x128x128xf32, #tpu.memory_space<vmem>>
    %dma_start3A_947 = tpu.memref_squeeze %dma_start3A_946 : memref<1x128x128xf32, #tpu.memory_space<vmem>> -> memref<128x128xf32, #tpu.memory_space<vmem>>
    %dma_start3A_948 = arith.constant 0 : i32
    %dma_start3A_949 = tpu.memref_slice %arg8[%dma_start3A_942, %dma_start3A_948] : memref<4x128xi32, #tpu.memory_space<vmem>> -> memref<1x128xi32, #tpu.memory_space<vmem>>
    %dma_start3A_950 = tpu.memref_squeeze %dma_start3A_949 : memref<1x128xi32, #tpu.memory_space<vmem>> -> memref<128xi32, #tpu.memory_space<vmem>>
    %dma_start3A_951 = arith.constant 0 : i32
    %dma_start3A_952 = arith.constant 0 : i32
    %dma_start3A_953 = tpu.memref_slice %arg4[%dma_start3A_951, %dma_start3A_952] : memref<125000x128xf32, #tpu.memory_space<hbm>> -> memref<125000x128xf32, #tpu.memory_space<hbm>>
    tpu.enqueue_indirect_dma source(%dma_start3A_953 : memref<125000x128xf32, #tpu.memory_space<hbm>>) target(%dma_start3A_947 : memref<128x128xf32, #tpu.memory_space<vmem>>) offsets(%dma_start3A_950 : memref<128xi32, #tpu.memory_space<vmem>>) semaphore(%arg12 : memref<!tpu.dma_semaphore, #tpu.memory_space<semaphore_mem>>)
    %dma_start3A_954 = arith.constant 1 : i32
    %dma_start3A_955 = arith.constant 1 : i32
    %dma_start3A_956 = arith.constant 0 : i32
    %dma_start3A_957 = arith.constant 0 : i32
    %dma_start3A_958 = tpu.memref_slice %arg11[%dma_start3A_955, %dma_start3A_956, %dma_start3A_957] : memref<2x128x128xf32, #tpu.memory_space<vmem>> -> memref<1x128x128xf32, #tpu.memory_space<vmem>>
    %dma_start3A_959 = tpu.memref_squeeze %dma_start3A_958 : memref<1x128x128xf32, #tpu.memory_space<vmem>> -> memref<128x128xf32, #tpu.memory_space<vmem>>
    %dma_start3A_960 = arith.constant 0 : i32
    %dma_start3A_961 = tpu.memref_slice %arg9[%dma_start3A_954, %dma_start3A_960] : memref<4x128xi32, #tpu.memory_space<vmem>> -> memref<1x128xi32, #tpu.memory_space<vmem>>
    %dma_start3A_962 = tpu.memref_squeeze %dma_start3A_961 : memref<1x128xi32, #tpu.memory_space<vmem>> -> memref<128xi32, #tpu.memory_space<vmem>>
    %dma_start3A_963 = arith.constant 0 : i32
    %dma_start3A_964 = arith.constant 0 : i32
    %dma_start3A_965 = tpu.memref_slice %arg5[%dma_start3A_963, %dma_start3A_964] : memref<12500x128xf32, #tpu.memory_space<hbm>> -> memref<12500x128xf32, #tpu.memory_space<hbm>>
    tpu.enqueue_indirect_dma source(%dma_start3A_965 : memref<12500x128xf32, #tpu.memory_space<hbm>>) target(%dma_start3A_959 : memref<128x128xf32, #tpu.memory_space<vmem>>) offsets(%dma_start3A_962 : memref<128xi32, #tpu.memory_space<vmem>>) semaphore(%arg13 : memref<!tpu.dma_semaphore, #tpu.memory_space<semaphore_mem>>)
    %dma_wait3A = arith.constant 0 : i32
    %dma_wait3A_966 = arith.constant 0 : i32
    %dma_wait3A_967 = arith.constant 0 : i32
    %dma_wait3A_968 = arith.constant 0 : i32
    %dma_wait3A_969 = tpu.memref_slice %arg10[%dma_wait3A_966, %dma_wait3A_967, %dma_wait3A_968] : memref<2x128x128xf32, #tpu.memory_space<vmem>> -> memref<1x128x128xf32, #tpu.memory_space<vmem>>
    %dma_wait3A_970 = tpu.memref_squeeze %dma_wait3A_969 : memref<1x128x128xf32, #tpu.memory_space<vmem>> -> memref<128x128xf32, #tpu.memory_space<vmem>>
    %dma_wait3A_971 = arith.constant 0 : i32
    %dma_wait3A_972 = tpu.memref_slice %arg8[%dma_wait3A, %dma_wait3A_971] : memref<4x128xi32, #tpu.memory_space<vmem>> -> memref<1x128xi32, #tpu.memory_space<vmem>>
    %dma_wait3A_973 = tpu.memref_squeeze %dma_wait3A_972 : memref<1x128xi32, #tpu.memory_space<vmem>> -> memref<128xi32, #tpu.memory_space<vmem>>
    %dma_wait3A_974 = arith.constant 0 : i32
    %dma_wait3A_975 = arith.constant 0 : i32
    %dma_wait3A_976 = tpu.memref_slice %arg4[%dma_wait3A_974, %dma_wait3A_975] : memref<125000x128xf32, #tpu.memory_space<hbm>> -> memref<125000x128xf32, #tpu.memory_space<hbm>>
    tpu.wait_indirect_dma semaphore(%arg12 : memref<!tpu.dma_semaphore, #tpu.memory_space<semaphore_mem>>) src(%dma_wait3A_976 : memref<125000x128xf32, #tpu.memory_space<hbm>>) dst(%dma_wait3A_970 : memref<128x128xf32, #tpu.memory_space<vmem>>)
    %dma_wait3A_977 = arith.constant 0 : i32
    %dma_wait3A_978 = arith.constant 0 : i32
    %dma_wait3A_979 = arith.constant 0 : i32
    %dma_wait3A_980 = arith.constant 0 : i32
    %dma_wait3A_981 = tpu.memref_slice %arg11[%dma_wait3A_978, %dma_wait3A_979, %dma_wait3A_980] : memref<2x128x128xf32, #tpu.memory_space<vmem>> -> memref<1x128x128xf32, #tpu.memory_space<vmem>>
    %dma_wait3A_982 = tpu.memref_squeeze %dma_wait3A_981 : memref<1x128x128xf32, #tpu.memory_space<vmem>> -> memref<128x128xf32, #tpu.memory_space<vmem>>
    %dma_wait3A_983 = arith.constant 0 : i32
    %dma_wait3A_984 = tpu.memref_slice %arg9[%dma_wait3A_977, %dma_wait3A_983] : memref<4x128xi32, #tpu.memory_space<vmem>> -> memref<1x128xi32, #tpu.memory_space<vmem>>
    %dma_wait3A_985 = tpu.memref_squeeze %dma_wait3A_984 : memref<1x128xi32, #tpu.memory_space<vmem>> -> memref<128xi32, #tpu.memory_space<vmem>>
    %dma_wait3A_986 = arith.constant 0 : i32
    %dma_wait3A_987 = arith.constant 0 : i32
    %dma_wait3A_988 = tpu.memref_slice %arg5[%dma_wait3A_986, %dma_wait3A_987] : memref<12500x128xf32, #tpu.memory_space<hbm>> -> memref<12500x128xf32, #tpu.memory_space<hbm>>
    tpu.wait_indirect_dma semaphore(%arg13 : memref<!tpu.dma_semaphore, #tpu.memory_space<semaphore_mem>>) src(%dma_wait3A_988 : memref<12500x128xf32, #tpu.memory_space<hbm>>) dst(%dma_wait3A_982 : memref<128x128xf32, #tpu.memory_space<vmem>>)
    %add3A_989 = arith.constant 0 : i32
    %add3A_990 = arith.addi %mul3A_2, %add3A_989 : i32
    %run_scoped3A_991 = arith.constant 0 : i32
    "tpu.region"() ({
      %run_scoped3A_1133 = tpu.sem_alloc : memref<!tpu.dma_semaphore, #tpu.memory_space<semaphore_mem>>
      %dma_start3A_1134 = arith.constant 0 : i32
      %dma_start3A_1135 = arith.constant 0 : i32
      %dma_start3A_1136 = tpu.memref_slice %arg10[%run_scoped3A_991, %dma_start3A_1134, %dma_start3A_1135] : memref<2x128x128xf32, #tpu.memory_space<vmem>> -> memref<1x128x128xf32, #tpu.memory_space<vmem>>
      %dma_start3A_1137 = tpu.memref_squeeze %dma_start3A_1136 : memref<1x128x128xf32, #tpu.memory_space<vmem>> -> memref<128x128xf32, #tpu.memory_space<vmem>>
      %dma_start3A_1138 = arith.constant 0 : i32
      %dma_start3A_1139 = tpu.memref_slice %arg6[%add3A_990, %dma_start3A_1138] : memref<16384x128xf32, #tpu.memory_space<hbm>> -> memref<128x128xf32, #tpu.memory_space<hbm>>
      %dma_start3A_1140 = arith.constant 0 : i32
      %dma_start3A_1141 = tpu.memref_slice %arg6[%add3A_990, %dma_start3A_1140] : memref<16384x128xf32, #tpu.memory_space<hbm>> -> memref<128x128xf32, #tpu.memory_space<hbm>>
      %dma_start3A_1142 = arith.constant 0 : i32
      %dma_start3A_1143 = arith.constant 0 : i32
      %dma_start3A_1144 = tpu.memref_slice %arg10[%run_scoped3A_991, %dma_start3A_1142, %dma_start3A_1143] : memref<2x128x128xf32, #tpu.memory_space<vmem>> -> memref<1x128x128xf32, #tpu.memory_space<vmem>>
      %dma_start3A_1145 = tpu.memref_squeeze %dma_start3A_1144 : memref<1x128x128xf32, #tpu.memory_space<vmem>> -> memref<128x128xf32, #tpu.memory_space<vmem>>
      tpu.enqueue_dma source(%dma_start3A_1145 : memref<128x128xf32, #tpu.memory_space<vmem>>) target(%dma_start3A_1141 : memref<128x128xf32, #tpu.memory_space<hbm>>) target_semaphore(%run_scoped3A_1133 : memref<!tpu.dma_semaphore, #tpu.memory_space<semaphore_mem>>)
      %dma_wait3A_1146 = arith.constant 0 : i32
      %dma_wait3A_1147 = arith.constant 0 : i32
      %dma_wait3A_1148 = tpu.memref_slice %arg10[%run_scoped3A_991, %dma_wait3A_1146, %dma_wait3A_1147] : memref<2x128x128xf32, #tpu.memory_space<vmem>> -> memref<1x128x128xf32, #tpu.memory_space<vmem>>
      %dma_wait3A_1149 = tpu.memref_squeeze %dma_wait3A_1148 : memref<1x128x128xf32, #tpu.memory_space<vmem>> -> memref<128x128xf32, #tpu.memory_space<vmem>>
      %dma_wait3A_1150 = arith.constant 0 : i32
      %dma_wait3A_1151 = tpu.memref_slice %arg6[%add3A_990, %dma_wait3A_1150] : memref<16384x128xf32, #tpu.memory_space<hbm>> -> memref<128x128xf32, #tpu.memory_space<hbm>>
      %dma_wait3A_1152 = arith.constant 0 : i32
      %dma_wait3A_1153 = tpu.memref_slice %arg6[%add3A_990, %dma_wait3A_1152] : memref<16384x128xf32, #tpu.memory_space<hbm>> -> memref<128x128xf32, #tpu.memory_space<hbm>>
      %dma_wait3A_1154 = arith.constant 0 : i32
      %dma_wait3A_1155 = arith.constant 0 : i32
      %dma_wait3A_1156 = tpu.memref_slice %arg10[%run_scoped3A_991, %dma_wait3A_1154, %dma_wait3A_1155] : memref<2x128x128xf32, #tpu.memory_space<vmem>> -> memref<1x128x128xf32, #tpu.memory_space<vmem>>
      %dma_wait3A_1157 = tpu.memref_squeeze %dma_wait3A_1156 : memref<1x128x128xf32, #tpu.memory_space<vmem>> -> memref<128x128xf32, #tpu.memory_space<vmem>>
      tpu.wait_dma2 semaphore(%run_scoped3A_1133 : memref<!tpu.dma_semaphore, #tpu.memory_space<semaphore_mem>>) src(%dma_wait3A_1157 : memref<128x128xf32, #tpu.memory_space<vmem>>) dst(%dma_wait3A_1153 : memref<128x128xf32, #tpu.memory_space<hbm>>)
      tpu.yield
    }) : () -> ()
    %add3A_992 = arith.constant 0 : i32
    %add3A_993 = arith.addi %mul3A_2, %add3A_992 : i32
    %run_scoped3A_994 = arith.constant 0 : i32
    "tpu.region"() ({
      %run_scoped3A_1133 = tpu.sem_alloc : memref<!tpu.dma_semaphore, #tpu.memory_space<semaphore_mem>>
      %dma_start3A_1134 = arith.constant 0 : i32
      %dma_start3A_1135 = arith.constant 0 : i32
      %dma_start3A_1136 = tpu.memref_slice %arg11[%run_scoped3A_994, %dma_start3A_1134, %dma_start3A_1135] : memref<2x128x128xf32, #tpu.memory_space<vmem>> -> memref<1x128x128xf32, #tpu.memory_space<vmem>>
      %dma_start3A_1137 = tpu.memref_squeeze %dma_start3A_1136 : memref<1x128x128xf32, #tpu.memory_space<vmem>> -> memref<128x128xf32, #tpu.memory_space<vmem>>
      %dma_start3A_1138 = arith.constant 0 : i32
      %dma_start3A_1139 = tpu.memref_slice %arg7[%add3A_993, %dma_start3A_1138] : memref<16384x128xf32, #tpu.memory_space<hbm>> -> memref<128x128xf32, #tpu.memory_space<hbm>>
      %dma_start3A_1140 = arith.constant 0 : i32
      %dma_start3A_1141 = tpu.memref_slice %arg7[%add3A_993, %dma_start3A_1140] : memref<16384x128xf32, #tpu.memory_space<hbm>> -> memref<128x128xf32, #tpu.memory_space<hbm>>
      %dma_start3A_1142 = arith.constant 0 : i32
      %dma_start3A_1143 = arith.constant 0 : i32
      %dma_start3A_1144 = tpu.memref_slice %arg11[%run_scoped3A_994, %dma_start3A_1142, %dma_start3A_1143] : memref<2x128x128xf32, #tpu.memory_space<vmem>> -> memref<1x128x128xf32, #tpu.memory_space<vmem>>
      %dma_start3A_1145 = tpu.memref_squeeze %dma_start3A_1144 : memref<1x128x128xf32, #tpu.memory_space<vmem>> -> memref<128x128xf32, #tpu.memory_space<vmem>>
      tpu.enqueue_dma source(%dma_start3A_1145 : memref<128x128xf32, #tpu.memory_space<vmem>>) target(%dma_start3A_1141 : memref<128x128xf32, #tpu.memory_space<hbm>>) target_semaphore(%run_scoped3A_1133 : memref<!tpu.dma_semaphore, #tpu.memory_space<semaphore_mem>>)
      %dma_wait3A_1146 = arith.constant 0 : i32
      %dma_wait3A_1147 = arith.constant 0 : i32
      %dma_wait3A_1148 = tpu.memref_slice %arg11[%run_scoped3A_994, %dma_wait3A_1146, %dma_wait3A_1147] : memref<2x128x128xf32, #tpu.memory_space<vmem>> -> memref<1x128x128xf32, #tpu.memory_space<vmem>>
      %dma_wait3A_1149 = tpu.memref_squeeze %dma_wait3A_1148 : memref<1x128x128xf32, #tpu.memory_space<vmem>> -> memref<128x128xf32, #tpu.memory_space<vmem>>
      %dma_wait3A_1150 = arith.constant 0 : i32
      %dma_wait3A_1151 = tpu.memref_slice %arg7[%add3A_993, %dma_wait3A_1150] : memref<16384x128xf32, #tpu.memory_space<hbm>> -> memref<128x128xf32, #tpu.memory_space<hbm>>
      %dma_wait3A_1152 = arith.constant 0 : i32
      %dma_wait3A_1153 = tpu.memref_slice %arg7[%add3A_993, %dma_wait3A_1152] : memref<16384x128xf32, #tpu.memory_space<hbm>> -> memref<128x128xf32, #tpu.memory_space<hbm>>
      %dma_wait3A_1154 = arith.constant 0 : i32
      %dma_wait3A_1155 = arith.constant 0 : i32
      %dma_wait3A_1156 = tpu.memref_slice %arg11[%run_scoped3A_994, %dma_wait3A_1154, %dma_wait3A_1155] : memref<2x128x128xf32, #tpu.memory_space<vmem>> -> memref<1x128x128xf32, #tpu.memory_space<vmem>>
      %dma_wait3A_1157 = tpu.memref_squeeze %dma_wait3A_1156 : memref<1x128x128xf32, #tpu.memory_space<vmem>> -> memref<128x128xf32, #tpu.memory_space<vmem>>
      tpu.wait_dma2 semaphore(%run_scoped3A_1133 : memref<!tpu.dma_semaphore, #tpu.memory_space<semaphore_mem>>) src(%dma_wait3A_1157 : memref<128x128xf32, #tpu.memory_space<vmem>>) dst(%dma_wait3A_1153 : memref<128x128xf32, #tpu.memory_space<hbm>>)
      tpu.yield
    }) : () -> ()
    %dma_start3A_995 = arith.constant 2 : i32
    %dma_start3A_996 = arith.constant 0 : i32
    %dma_start3A_997 = arith.constant 0 : i32
    %dma_start3A_998 = arith.constant 0 : i32
    %dma_start3A_999 = tpu.memref_slice %arg10[%dma_start3A_996, %dma_start3A_997, %dma_start3A_998] : memref<2x128x128xf32, #tpu.memory_space<vmem>> -> memref<1x128x128xf32, #tpu.memory_space<vmem>>
    %dma_start3A_1000 = tpu.memref_squeeze %dma_start3A_999 : memref<1x128x128xf32, #tpu.memory_space<vmem>> -> memref<128x128xf32, #tpu.memory_space<vmem>>
    %dma_start3A_1001 = arith.constant 0 : i32
    %dma_start3A_1002 = tpu.memref_slice %arg8[%dma_start3A_995, %dma_start3A_1001] : memref<4x128xi32, #tpu.memory_space<vmem>> -> memref<1x128xi32, #tpu.memory_space<vmem>>
    %dma_start3A_1003 = tpu.memref_squeeze %dma_start3A_1002 : memref<1x128xi32, #tpu.memory_space<vmem>> -> memref<128xi32, #tpu.memory_space<vmem>>
    %dma_start3A_1004 = arith.constant 0 : i32
    %dma_start3A_1005 = arith.constant 0 : i32
    %dma_start3A_1006 = tpu.memref_slice %arg4[%dma_start3A_1004, %dma_start3A_1005] : memref<125000x128xf32, #tpu.memory_space<hbm>> -> memref<125000x128xf32, #tpu.memory_space<hbm>>
    tpu.enqueue_indirect_dma source(%dma_start3A_1006 : memref<125000x128xf32, #tpu.memory_space<hbm>>) target(%dma_start3A_1000 : memref<128x128xf32, #tpu.memory_space<vmem>>) offsets(%dma_start3A_1003 : memref<128xi32, #tpu.memory_space<vmem>>) semaphore(%arg12 : memref<!tpu.dma_semaphore, #tpu.memory_space<semaphore_mem>>)
    %dma_start3A_1007 = arith.constant 2 : i32
    %dma_start3A_1008 = arith.constant 0 : i32
    %dma_start3A_1009 = arith.constant 0 : i32
    %dma_start3A_1010 = arith.constant 0 : i32
    %dma_start3A_1011 = tpu.memref_slice %arg11[%dma_start3A_1008, %dma_start3A_1009, %dma_start3A_1010] : memref<2x128x128xf32, #tpu.memory_space<vmem>> -> memref<1x128x128xf32, #tpu.memory_space<vmem>>
    %dma_start3A_1012 = tpu.memref_squeeze %dma_start3A_1011 : memref<1x128x128xf32, #tpu.memory_space<vmem>> -> memref<128x128xf32, #tpu.memory_space<vmem>>
    %dma_start3A_1013 = arith.constant 0 : i32
    %dma_start3A_1014 = tpu.memref_slice %arg9[%dma_start3A_1007, %dma_start3A_1013] : memref<4x128xi32, #tpu.memory_space<vmem>> -> memref<1x128xi32, #tpu.memory_space<vmem>>
    %dma_start3A_1015 = tpu.memref_squeeze %dma_start3A_1014 : memref<1x128xi32, #tpu.memory_space<vmem>> -> memref<128xi32, #tpu.memory_space<vmem>>
    %dma_start3A_1016 = arith.constant 0 : i32
    %dma_start3A_1017 = arith.constant 0 : i32
    %dma_start3A_1018 = tpu.memref_slice %arg5[%dma_start3A_1016, %dma_start3A_1017] : memref<12500x128xf32, #tpu.memory_space<hbm>> -> memref<12500x128xf32, #tpu.memory_space<hbm>>
    tpu.enqueue_indirect_dma source(%dma_start3A_1018 : memref<12500x128xf32, #tpu.memory_space<hbm>>) target(%dma_start3A_1012 : memref<128x128xf32, #tpu.memory_space<vmem>>) offsets(%dma_start3A_1015 : memref<128xi32, #tpu.memory_space<vmem>>) semaphore(%arg13 : memref<!tpu.dma_semaphore, #tpu.memory_space<semaphore_mem>>)
    %dma_wait3A_1019 = arith.constant 1 : i32
    %dma_wait3A_1020 = arith.constant 1 : i32
    %dma_wait3A_1021 = arith.constant 0 : i32
    %dma_wait3A_1022 = arith.constant 0 : i32
    %dma_wait3A_1023 = tpu.memref_slice %arg10[%dma_wait3A_1020, %dma_wait3A_1021, %dma_wait3A_1022] : memref<2x128x128xf32, #tpu.memory_space<vmem>> -> memref<1x128x128xf32, #tpu.memory_space<vmem>>
    %dma_wait3A_1024 = tpu.memref_squeeze %dma_wait3A_1023 : memref<1x128x128xf32, #tpu.memory_space<vmem>> -> memref<128x128xf32, #tpu.memory_space<vmem>>
    %dma_wait3A_1025 = arith.constant 0 : i32
    %dma_wait3A_1026 = tpu.memref_slice %arg8[%dma_wait3A_1019, %dma_wait3A_1025] : memref<4x128xi32, #tpu.memory_space<vmem>> -> memref<1x128xi32, #tpu.memory_space<vmem>>
    %dma_wait3A_1027 = tpu.memref_squeeze %dma_wait3A_1026 : memref<1x128xi32, #tpu.memory_space<vmem>> -> memref<128xi32, #tpu.memory_space<vmem>>
    %dma_wait3A_1028 = arith.constant 0 : i32
    %dma_wait3A_1029 = arith.constant 0 : i32
    %dma_wait3A_1030 = tpu.memref_slice %arg4[%dma_wait3A_1028, %dma_wait3A_1029] : memref<125000x128xf32, #tpu.memory_space<hbm>> -> memref<125000x128xf32, #tpu.memory_space<hbm>>
    tpu.wait_indirect_dma semaphore(%arg12 : memref<!tpu.dma_semaphore, #tpu.memory_space<semaphore_mem>>) src(%dma_wait3A_1030 : memref<125000x128xf32, #tpu.memory_space<hbm>>) dst(%dma_wait3A_1024 : memref<128x128xf32, #tpu.memory_space<vmem>>)
    %dma_wait3A_1031 = arith.constant 1 : i32
    %dma_wait3A_1032 = arith.constant 1 : i32
    %dma_wait3A_1033 = arith.constant 0 : i32
    %dma_wait3A_1034 = arith.constant 0 : i32
    %dma_wait3A_1035 = tpu.memref_slice %arg11[%dma_wait3A_1032, %dma_wait3A_1033, %dma_wait3A_1034] : memref<2x128x128xf32, #tpu.memory_space<vmem>> -> memref<1x128x128xf32, #tpu.memory_space<vmem>>
    %dma_wait3A_1036 = tpu.memref_squeeze %dma_wait3A_1035 : memref<1x128x128xf32, #tpu.memory_space<vmem>> -> memref<128x128xf32, #tpu.memory_space<vmem>>
    %dma_wait3A_1037 = arith.constant 0 : i32
    %dma_wait3A_1038 = tpu.memref_slice %arg9[%dma_wait3A_1031, %dma_wait3A_1037] : memref<4x128xi32, #tpu.memory_space<vmem>> -> memref<1x128xi32, #tpu.memory_space<vmem>>
    %dma_wait3A_1039 = tpu.memref_squeeze %dma_wait3A_1038 : memref<1x128xi32, #tpu.memory_space<vmem>> -> memref<128xi32, #tpu.memory_space<vmem>>
    %dma_wait3A_1040 = arith.constant 0 : i32
    %dma_wait3A_1041 = arith.constant 0 : i32
    %dma_wait3A_1042 = tpu.memref_slice %arg5[%dma_wait3A_1040, %dma_wait3A_1041] : memref<12500x128xf32, #tpu.memory_space<hbm>> -> memref<12500x128xf32, #tpu.memory_space<hbm>>
    tpu.wait_indirect_dma semaphore(%arg13 : memref<!tpu.dma_semaphore, #tpu.memory_space<semaphore_mem>>) src(%dma_wait3A_1042 : memref<12500x128xf32, #tpu.memory_space<hbm>>) dst(%dma_wait3A_1036 : memref<128x128xf32, #tpu.memory_space<vmem>>)
    %add3A_1043 = arith.constant 128 : i32
    %add3A_1044 = arith.addi %mul3A_2, %add3A_1043 : i32
    %run_scoped3A_1045 = arith.constant 1 : i32
    "tpu.region"() ({
      %run_scoped3A_1133 = tpu.sem_alloc : memref<!tpu.dma_semaphore, #tpu.memory_space<semaphore_mem>>
      %dma_start3A_1134 = arith.constant 0 : i32
      %dma_start3A_1135 = arith.constant 0 : i32
      %dma_start3A_1136 = tpu.memref_slice %arg10[%run_scoped3A_1045, %dma_start3A_1134, %dma_start3A_1135] : memref<2x128x128xf32, #tpu.memory_space<vmem>> -> memref<1x128x128xf32, #tpu.memory_space<vmem>>
      %dma_start3A_1137 = tpu.memref_squeeze %dma_start3A_1136 : memref<1x128x128xf32, #tpu.memory_space<vmem>> -> memref<128x128xf32, #tpu.memory_space<vmem>>
      %dma_start3A_1138 = arith.constant 0 : i32
      %dma_start3A_1139 = tpu.memref_slice %arg6[%add3A_1044, %dma_start3A_1138] : memref<16384x128xf32, #tpu.memory_space<hbm>> -> memref<128x128xf32, #tpu.memory_space<hbm>>
      %dma_start3A_1140 = arith.constant 0 : i32
      %dma_start3A_1141 = tpu.memref_slice %arg6[%add3A_1044, %dma_start3A_1140] : memref<16384x128xf32, #tpu.memory_space<hbm>> -> memref<128x128xf32, #tpu.memory_space<hbm>>
      %dma_start3A_1142 = arith.constant 0 : i32
      %dma_start3A_1143 = arith.constant 0 : i32
      %dma_start3A_1144 = tpu.memref_slice %arg10[%run_scoped3A_1045, %dma_start3A_1142, %dma_start3A_1143] : memref<2x128x128xf32, #tpu.memory_space<vmem>> -> memref<1x128x128xf32, #tpu.memory_space<vmem>>
      %dma_start3A_1145 = tpu.memref_squeeze %dma_start3A_1144 : memref<1x128x128xf32, #tpu.memory_space<vmem>> -> memref<128x128xf32, #tpu.memory_space<vmem>>
      tpu.enqueue_dma source(%dma_start3A_1145 : memref<128x128xf32, #tpu.memory_space<vmem>>) target(%dma_start3A_1141 : memref<128x128xf32, #tpu.memory_space<hbm>>) target_semaphore(%run_scoped3A_1133 : memref<!tpu.dma_semaphore, #tpu.memory_space<semaphore_mem>>)
      %dma_wait3A_1146 = arith.constant 0 : i32
      %dma_wait3A_1147 = arith.constant 0 : i32
      %dma_wait3A_1148 = tpu.memref_slice %arg10[%run_scoped3A_1045, %dma_wait3A_1146, %dma_wait3A_1147] : memref<2x128x128xf32, #tpu.memory_space<vmem>> -> memref<1x128x128xf32, #tpu.memory_space<vmem>>
      %dma_wait3A_1149 = tpu.memref_squeeze %dma_wait3A_1148 : memref<1x128x128xf32, #tpu.memory_space<vmem>> -> memref<128x128xf32, #tpu.memory_space<vmem>>
      %dma_wait3A_1150 = arith.constant 0 : i32
      %dma_wait3A_1151 = tpu.memref_slice %arg6[%add3A_1044, %dma_wait3A_1150] : memref<16384x128xf32, #tpu.memory_space<hbm>> -> memref<128x128xf32, #tpu.memory_space<hbm>>
      %dma_wait3A_1152 = arith.constant 0 : i32
      %dma_wait3A_1153 = tpu.memref_slice %arg6[%add3A_1044, %dma_wait3A_1152] : memref<16384x128xf32, #tpu.memory_space<hbm>> -> memref<128x128xf32, #tpu.memory_space<hbm>>
      %dma_wait3A_1154 = arith.constant 0 : i32
      %dma_wait3A_1155 = arith.constant 0 : i32
      %dma_wait3A_1156 = tpu.memref_slice %arg10[%run_scoped3A_1045, %dma_wait3A_1154, %dma_wait3A_1155] : memref<2x128x128xf32, #tpu.memory_space<vmem>> -> memref<1x128x128xf32, #tpu.memory_space<vmem>>
      %dma_wait3A_1157 = tpu.memref_squeeze %dma_wait3A_1156 : memref<1x128x128xf32, #tpu.memory_space<vmem>> -> memref<128x128xf32, #tpu.memory_space<vmem>>
      tpu.wait_dma2 semaphore(%run_scoped3A_1133 : memref<!tpu.dma_semaphore, #tpu.memory_space<semaphore_mem>>) src(%dma_wait3A_1157 : memref<128x128xf32, #tpu.memory_space<vmem>>) dst(%dma_wait3A_1153 : memref<128x128xf32, #tpu.memory_space<hbm>>)
      tpu.yield
    }) : () -> ()
    %add3A_1046 = arith.constant 128 : i32
    %add3A_1047 = arith.addi %mul3A_2, %add3A_1046 : i32
    %run_scoped3A_1048 = arith.constant 1 : i32
    "tpu.region"() ({
      %run_scoped3A_1133 = tpu.sem_alloc : memref<!tpu.dma_semaphore, #tpu.memory_space<semaphore_mem>>
      %dma_start3A_1134 = arith.constant 0 : i32
      %dma_start3A_1135 = arith.constant 0 : i32
      %dma_start3A_1136 = tpu.memref_slice %arg11[%run_scoped3A_1048, %dma_start3A_1134, %dma_start3A_1135] : memref<2x128x128xf32, #tpu.memory_space<vmem>> -> memref<1x128x128xf32, #tpu.memory_space<vmem>>
      %dma_start3A_1137 = tpu.memref_squeeze %dma_start3A_1136 : memref<1x128x128xf32, #tpu.memory_space<vmem>> -> memref<128x128xf32, #tpu.memory_space<vmem>>
      %dma_start3A_1138 = arith.constant 0 : i32
      %dma_start3A_1139 = tpu.memref_slice %arg7[%add3A_1047, %dma_start3A_1138] : memref<16384x128xf32, #tpu.memory_space<hbm>> -> memref<128x128xf32, #tpu.memory_space<hbm>>
      %dma_start3A_1140 = arith.constant 0 : i32
      %dma_start3A_1141 = tpu.memref_slice %arg7[%add3A_1047, %dma_start3A_1140] : memref<16384x128xf32, #tpu.memory_space<hbm>> -> memref<128x128xf32, #tpu.memory_space<hbm>>
      %dma_start3A_1142 = arith.constant 0 : i32
      %dma_start3A_1143 = arith.constant 0 : i32
      %dma_start3A_1144 = tpu.memref_slice %arg11[%run_scoped3A_1048, %dma_start3A_1142, %dma_start3A_1143] : memref<2x128x128xf32, #tpu.memory_space<vmem>> -> memref<1x128x128xf32, #tpu.memory_space<vmem>>
      %dma_start3A_1145 = tpu.memref_squeeze %dma_start3A_1144 : memref<1x128x128xf32, #tpu.memory_space<vmem>> -> memref<128x128xf32, #tpu.memory_space<vmem>>
      tpu.enqueue_dma source(%dma_start3A_1145 : memref<128x128xf32, #tpu.memory_space<vmem>>) target(%dma_start3A_1141 : memref<128x128xf32, #tpu.memory_space<hbm>>) target_semaphore(%run_scoped3A_1133 : memref<!tpu.dma_semaphore, #tpu.memory_space<semaphore_mem>>)
      %dma_wait3A_1146 = arith.constant 0 : i32
      %dma_wait3A_1147 = arith.constant 0 : i32
      %dma_wait3A_1148 = tpu.memref_slice %arg11[%run_scoped3A_1048, %dma_wait3A_1146, %dma_wait3A_1147] : memref<2x128x128xf32, #tpu.memory_space<vmem>> -> memref<1x128x128xf32, #tpu.memory_space<vmem>>
      %dma_wait3A_1149 = tpu.memref_squeeze %dma_wait3A_1148 : memref<1x128x128xf32, #tpu.memory_space<vmem>> -> memref<128x128xf32, #tpu.memory_space<vmem>>
      %dma_wait3A_1150 = arith.constant 0 : i32
      %dma_wait3A_1151 = tpu.memref_slice %arg7[%add3A_1047, %dma_wait3A_1150] : memref<16384x128xf32, #tpu.memory_space<hbm>> -> memref<128x128xf32, #tpu.memory_space<hbm>>
      %dma_wait3A_1152 = arith.constant 0 : i32
      %dma_wait3A_1153 = tpu.memref_slice %arg7[%add3A_1047, %dma_wait3A_1152] : memref<16384x128xf32, #tpu.memory_space<hbm>> -> memref<128x128xf32, #tpu.memory_space<hbm>>
      %dma_wait3A_1154 = arith.constant 0 : i32
      %dma_wait3A_1155 = arith.constant 0 : i32
      %dma_wait3A_1156 = tpu.memref_slice %arg11[%run_scoped3A_1048, %dma_wait3A_1154, %dma_wait3A_1155] : memref<2x128x128xf32, #tpu.memory_space<vmem>> -> memref<1x128x128xf32, #tpu.memory_space<vmem>>
      %dma_wait3A_1157 = tpu.memref_squeeze %dma_wait3A_1156 : memref<1x128x128xf32, #tpu.memory_space<vmem>> -> memref<128x128xf32, #tpu.memory_space<vmem>>
      tpu.wait_dma2 semaphore(%run_scoped3A_1133 : memref<!tpu.dma_semaphore, #tpu.memory_space<semaphore_mem>>) src(%dma_wait3A_1157 : memref<128x128xf32, #tpu.memory_space<vmem>>) dst(%dma_wait3A_1153 : memref<128x128xf32, #tpu.memory_space<hbm>>)
      tpu.yield
    }) : () -> ()
    %dma_start3A_1049 = arith.constant 3 : i32
    %dma_start3A_1050 = arith.constant 1 : i32
    %dma_start3A_1051 = arith.constant 0 : i32
    %dma_start3A_1052 = arith.constant 0 : i32
    %dma_start3A_1053 = tpu.memref_slice %arg10[%dma_start3A_1050, %dma_start3A_1051, %dma_start3A_1052] : memref<2x128x128xf32, #tpu.memory_space<vmem>> -> memref<1x128x128xf32, #tpu.memory_space<vmem>>
    %dma_start3A_1054 = tpu.memref_squeeze %dma_start3A_1053 : memref<1x128x128xf32, #tpu.memory_space<vmem>> -> memref<128x128xf32, #tpu.memory_space<vmem>>
    %dma_start3A_1055 = arith.constant 0 : i32
    %dma_start3A_1056 = tpu.memref_slice %arg8[%dma_start3A_1049, %dma_start3A_1055] : memref<4x128xi32, #tpu.memory_space<vmem>> -> memref<1x128xi32, #tpu.memory_space<vmem>>
    %dma_start3A_1057 = tpu.memref_squeeze %dma_start3A_1056 : memref<1x128xi32, #tpu.memory_space<vmem>> -> memref<128xi32, #tpu.memory_space<vmem>>
    %dma_start3A_1058 = arith.constant 0 : i32
    %dma_start3A_1059 = arith.constant 0 : i32
    %dma_start3A_1060 = tpu.memref_slice %arg4[%dma_start3A_1058, %dma_start3A_1059] : memref<125000x128xf32, #tpu.memory_space<hbm>> -> memref<125000x128xf32, #tpu.memory_space<hbm>>
    tpu.enqueue_indirect_dma source(%dma_start3A_1060 : memref<125000x128xf32, #tpu.memory_space<hbm>>) target(%dma_start3A_1054 : memref<128x128xf32, #tpu.memory_space<vmem>>) offsets(%dma_start3A_1057 : memref<128xi32, #tpu.memory_space<vmem>>) semaphore(%arg12 : memref<!tpu.dma_semaphore, #tpu.memory_space<semaphore_mem>>)
    %dma_start3A_1061 = arith.constant 3 : i32
    %dma_start3A_1062 = arith.constant 1 : i32
    %dma_start3A_1063 = arith.constant 0 : i32
    %dma_start3A_1064 = arith.constant 0 : i32
    %dma_start3A_1065 = tpu.memref_slice %arg11[%dma_start3A_1062, %dma_start3A_1063, %dma_start3A_1064] : memref<2x128x128xf32, #tpu.memory_space<vmem>> -> memref<1x128x128xf32, #tpu.memory_space<vmem>>
    %dma_start3A_1066 = tpu.memref_squeeze %dma_start3A_1065 : memref<1x128x128xf32, #tpu.memory_space<vmem>> -> memref<128x128xf32, #tpu.memory_space<vmem>>
    %dma_start3A_1067 = arith.constant 0 : i32
    %dma_start3A_1068 = tpu.memref_slice %arg9[%dma_start3A_1061, %dma_start3A_1067] : memref<4x128xi32, #tpu.memory_space<vmem>> -> memref<1x128xi32, #tpu.memory_space<vmem>>
    %dma_start3A_1069 = tpu.memref_squeeze %dma_start3A_1068 : memref<1x128xi32, #tpu.memory_space<vmem>> -> memref<128xi32, #tpu.memory_space<vmem>>
    %dma_start3A_1070 = arith.constant 0 : i32
    %dma_start3A_1071 = arith.constant 0 : i32
    %dma_start3A_1072 = tpu.memref_slice %arg5[%dma_start3A_1070, %dma_start3A_1071] : memref<12500x128xf32, #tpu.memory_space<hbm>> -> memref<12500x128xf32, #tpu.memory_space<hbm>>
    tpu.enqueue_indirect_dma source(%dma_start3A_1072 : memref<12500x128xf32, #tpu.memory_space<hbm>>) target(%dma_start3A_1066 : memref<128x128xf32, #tpu.memory_space<vmem>>) offsets(%dma_start3A_1069 : memref<128xi32, #tpu.memory_space<vmem>>) semaphore(%arg13 : memref<!tpu.dma_semaphore, #tpu.memory_space<semaphore_mem>>)
    %dma_wait3A_1073 = arith.constant 2 : i32
    %dma_wait3A_1074 = arith.constant 0 : i32
    %dma_wait3A_1075 = arith.constant 0 : i32
    %dma_wait3A_1076 = arith.constant 0 : i32
    %dma_wait3A_1077 = tpu.memref_slice %arg10[%dma_wait3A_1074, %dma_wait3A_1075, %dma_wait3A_1076] : memref<2x128x128xf32, #tpu.memory_space<vmem>> -> memref<1x128x128xf32, #tpu.memory_space<vmem>>
    %dma_wait3A_1078 = tpu.memref_squeeze %dma_wait3A_1077 : memref<1x128x128xf32, #tpu.memory_space<vmem>> -> memref<128x128xf32, #tpu.memory_space<vmem>>
    %dma_wait3A_1079 = arith.constant 0 : i32
    %dma_wait3A_1080 = tpu.memref_slice %arg8[%dma_wait3A_1073, %dma_wait3A_1079] : memref<4x128xi32, #tpu.memory_space<vmem>> -> memref<1x128xi32, #tpu.memory_space<vmem>>
    %dma_wait3A_1081 = tpu.memref_squeeze %dma_wait3A_1080 : memref<1x128xi32, #tpu.memory_space<vmem>> -> memref<128xi32, #tpu.memory_space<vmem>>
    %dma_wait3A_1082 = arith.constant 0 : i32
    %dma_wait3A_1083 = arith.constant 0 : i32
    %dma_wait3A_1084 = tpu.memref_slice %arg4[%dma_wait3A_1082, %dma_wait3A_1083] : memref<125000x128xf32, #tpu.memory_space<hbm>> -> memref<125000x128xf32, #tpu.memory_space<hbm>>
    tpu.wait_indirect_dma semaphore(%arg12 : memref<!tpu.dma_semaphore, #tpu.memory_space<semaphore_mem>>) src(%dma_wait3A_1084 : memref<125000x128xf32, #tpu.memory_space<hbm>>) dst(%dma_wait3A_1078 : memref<128x128xf32, #tpu.memory_space<vmem>>)
    %dma_wait3A_1085 = arith.constant 2 : i32
    %dma_wait3A_1086 = arith.constant 0 : i32
    %dma_wait3A_1087 = arith.constant 0 : i32
    %dma_wait3A_1088 = arith.constant 0 : i32
    %dma_wait3A_1089 = tpu.memref_slice %arg11[%dma_wait3A_1086, %dma_wait3A_1087, %dma_wait3A_1088] : memref<2x128x128xf32, #tpu.memory_space<vmem>> -> memref<1x128x128xf32, #tpu.memory_space<vmem>>
    %dma_wait3A_1090 = tpu.memref_squeeze %dma_wait3A_1089 : memref<1x128x128xf32, #tpu.memory_space<vmem>> -> memref<128x128xf32, #tpu.memory_space<vmem>>
    %dma_wait3A_1091 = arith.constant 0 : i32
    %dma_wait3A_1092 = tpu.memref_slice %arg9[%dma_wait3A_1085, %dma_wait3A_1091] : memref<4x128xi32, #tpu.memory_space<vmem>> -> memref<1x128xi32, #tpu.memory_space<vmem>>
    %dma_wait3A_1093 = tpu.memref_squeeze %dma_wait3A_1092 : memref<1x128xi32, #tpu.memory_space<vmem>> -> memref<128xi32, #tpu.memory_space<vmem>>
    %dma_wait3A_1094 = arith.constant 0 : i32
    %dma_wait3A_1095 = arith.constant 0 : i32
    %dma_wait3A_1096 = tpu.memref_slice %arg5[%dma_wait3A_1094, %dma_wait3A_1095] : memref<12500x128xf32, #tpu.memory_space<hbm>> -> memref<12500x128xf32, #tpu.memory_space<hbm>>
    tpu.wait_indirect_dma semaphore(%arg13 : memref<!tpu.dma_semaphore, #tpu.memory_space<semaphore_mem>>) src(%dma_wait3A_1096 : memref<12500x128xf32, #tpu.memory_space<hbm>>) dst(%dma_wait3A_1090 : memref<128x128xf32, #tpu.memory_space<vmem>>)
    %add3A_1097 = arith.constant 256 : i32
    %add3A_1098 = arith.addi %mul3A_2, %add3A_1097 : i32
    %run_scoped3A_1099 = arith.constant 0 : i32
    "tpu.region"() ({
      %run_scoped3A_1133 = tpu.sem_alloc : memref<!tpu.dma_semaphore, #tpu.memory_space<semaphore_mem>>
      %dma_start3A_1134 = arith.constant 0 : i32
      %dma_start3A_1135 = arith.constant 0 : i32
      %dma_start3A_1136 = tpu.memref_slice %arg10[%run_scoped3A_1099, %dma_start3A_1134, %dma_start3A_1135] : memref<2x128x128xf32, #tpu.memory_space<vmem>> -> memref<1x128x128xf32, #tpu.memory_space<vmem>>
      %dma_start3A_1137 = tpu.memref_squeeze %dma_start3A_1136 : memref<1x128x128xf32, #tpu.memory_space<vmem>> -> memref<128x128xf32, #tpu.memory_space<vmem>>
      %dma_start3A_1138 = arith.constant 0 : i32
      %dma_start3A_1139 = tpu.memref_slice %arg6[%add3A_1098, %dma_start3A_1138] : memref<16384x128xf32, #tpu.memory_space<hbm>> -> memref<128x128xf32, #tpu.memory_space<hbm>>
      %dma_start3A_1140 = arith.constant 0 : i32
      %dma_start3A_1141 = tpu.memref_slice %arg6[%add3A_1098, %dma_start3A_1140] : memref<16384x128xf32, #tpu.memory_space<hbm>> -> memref<128x128xf32, #tpu.memory_space<hbm>>
      %dma_start3A_1142 = arith.constant 0 : i32
      %dma_start3A_1143 = arith.constant 0 : i32
      %dma_start3A_1144 = tpu.memref_slice %arg10[%run_scoped3A_1099, %dma_start3A_1142, %dma_start3A_1143] : memref<2x128x128xf32, #tpu.memory_space<vmem>> -> memref<1x128x128xf32, #tpu.memory_space<vmem>>
      %dma_start3A_1145 = tpu.memref_squeeze %dma_start3A_1144 : memref<1x128x128xf32, #tpu.memory_space<vmem>> -> memref<128x128xf32, #tpu.memory_space<vmem>>
      tpu.enqueue_dma source(%dma_start3A_1145 : memref<128x128xf32, #tpu.memory_space<vmem>>) target(%dma_start3A_1141 : memref<128x128xf32, #tpu.memory_space<hbm>>) target_semaphore(%run_scoped3A_1133 : memref<!tpu.dma_semaphore, #tpu.memory_space<semaphore_mem>>)
      %dma_wait3A_1146 = arith.constant 0 : i32
      %dma_wait3A_1147 = arith.constant 0 : i32
      %dma_wait3A_1148 = tpu.memref_slice %arg10[%run_scoped3A_1099, %dma_wait3A_1146, %dma_wait3A_1147] : memref<2x128x128xf32, #tpu.memory_space<vmem>> -> memref<1x128x128xf32, #tpu.memory_space<vmem>>
      %dma_wait3A_1149 = tpu.memref_squeeze %dma_wait3A_1148 : memref<1x128x128xf32, #tpu.memory_space<vmem>> -> memref<128x128xf32, #tpu.memory_space<vmem>>
      %dma_wait3A_1150 = arith.constant 0 : i32
      %dma_wait3A_1151 = tpu.memref_slice %arg6[%add3A_1098, %dma_wait3A_1150] : memref<16384x128xf32, #tpu.memory_space<hbm>> -> memref<128x128xf32, #tpu.memory_space<hbm>>
      %dma_wait3A_1152 = arith.constant 0 : i32
      %dma_wait3A_1153 = tpu.memref_slice %arg6[%add3A_1098, %dma_wait3A_1152] : memref<16384x128xf32, #tpu.memory_space<hbm>> -> memref<128x128xf32, #tpu.memory_space<hbm>>
      %dma_wait3A_1154 = arith.constant 0 : i32
      %dma_wait3A_1155 = arith.constant 0 : i32
      %dma_wait3A_1156 = tpu.memref_slice %arg10[%run_scoped3A_1099, %dma_wait3A_1154, %dma_wait3A_1155] : memref<2x128x128xf32, #tpu.memory_space<vmem>> -> memref<1x128x128xf32, #tpu.memory_space<vmem>>
      %dma_wait3A_1157 = tpu.memref_squeeze %dma_wait3A_1156 : memref<1x128x128xf32, #tpu.memory_space<vmem>> -> memref<128x128xf32, #tpu.memory_space<vmem>>
      tpu.wait_dma2 semaphore(%run_scoped3A_1133 : memref<!tpu.dma_semaphore, #tpu.memory_space<semaphore_mem>>) src(%dma_wait3A_1157 : memref<128x128xf32, #tpu.memory_space<vmem>>) dst(%dma_wait3A_1153 : memref<128x128xf32, #tpu.memory_space<hbm>>)
      tpu.yield
    }) : () -> ()
    %add3A_1100 = arith.constant 256 : i32
    %add3A_1101 = arith.addi %mul3A_2, %add3A_1100 : i32
    %run_scoped3A_1102 = arith.constant 0 : i32
    "tpu.region"() ({
      %run_scoped3A_1133 = tpu.sem_alloc : memref<!tpu.dma_semaphore, #tpu.memory_space<semaphore_mem>>
      %dma_start3A_1134 = arith.constant 0 : i32
      %dma_start3A_1135 = arith.constant 0 : i32
      %dma_start3A_1136 = tpu.memref_slice %arg11[%run_scoped3A_1102, %dma_start3A_1134, %dma_start3A_1135] : memref<2x128x128xf32, #tpu.memory_space<vmem>> -> memref<1x128x128xf32, #tpu.memory_space<vmem>>
      %dma_start3A_1137 = tpu.memref_squeeze %dma_start3A_1136 : memref<1x128x128xf32, #tpu.memory_space<vmem>> -> memref<128x128xf32, #tpu.memory_space<vmem>>
      %dma_start3A_1138 = arith.constant 0 : i32
      %dma_start3A_1139 = tpu.memref_slice %arg7[%add3A_1101, %dma_start3A_1138] : memref<16384x128xf32, #tpu.memory_space<hbm>> -> memref<128x128xf32, #tpu.memory_space<hbm>>
      %dma_start3A_1140 = arith.constant 0 : i32
      %dma_start3A_1141 = tpu.memref_slice %arg7[%add3A_1101, %dma_start3A_1140] : memref<16384x128xf32, #tpu.memory_space<hbm>> -> memref<128x128xf32, #tpu.memory_space<hbm>>
      %dma_start3A_1142 = arith.constant 0 : i32
      %dma_start3A_1143 = arith.constant 0 : i32
      %dma_start3A_1144 = tpu.memref_slice %arg11[%run_scoped3A_1102, %dma_start3A_1142, %dma_start3A_1143] : memref<2x128x128xf32, #tpu.memory_space<vmem>> -> memref<1x128x128xf32, #tpu.memory_space<vmem>>
      %dma_start3A_1145 = tpu.memref_squeeze %dma_start3A_1144 : memref<1x128x128xf32, #tpu.memory_space<vmem>> -> memref<128x128xf32, #tpu.memory_space<vmem>>
      tpu.enqueue_dma source(%dma_start3A_1145 : memref<128x128xf32, #tpu.memory_space<vmem>>) target(%dma_start3A_1141 : memref<128x128xf32, #tpu.memory_space<hbm>>) target_semaphore(%run_scoped3A_1133 : memref<!tpu.dma_semaphore, #tpu.memory_space<semaphore_mem>>)
      %dma_wait3A_1146 = arith.constant 0 : i32
      %dma_wait3A_1147 = arith.constant 0 : i32
      %dma_wait3A_1148 = tpu.memref_slice %arg11[%run_scoped3A_1102, %dma_wait3A_1146, %dma_wait3A_1147] : memref<2x128x128xf32, #tpu.memory_space<vmem>> -> memref<1x128x128xf32, #tpu.memory_space<vmem>>
      %dma_wait3A_1149 = tpu.memref_squeeze %dma_wait3A_1148 : memref<1x128x128xf32, #tpu.memory_space<vmem>> -> memref<128x128xf32, #tpu.memory_space<vmem>>
      %dma_wait3A_1150 = arith.constant 0 : i32
      %dma_wait3A_1151 = tpu.memref_slice %arg7[%add3A_1101, %dma_wait3A_1150] : memref<16384x128xf32, #tpu.memory_space<hbm>> -> memref<128x128xf32, #tpu.memory_space<hbm>>
      %dma_wait3A_1152 = arith.constant 0 : i32
      %dma_wait3A_1153 = tpu.memref_slice %arg7[%add3A_1101, %dma_wait3A_1152] : memref<16384x128xf32, #tpu.memory_space<hbm>> -> memref<128x128xf32, #tpu.memory_space<hbm>>
      %dma_wait3A_1154 = arith.constant 0 : i32
      %dma_wait3A_1155 = arith.constant 0 : i32
      %dma_wait3A_1156 = tpu.memref_slice %arg11[%run_scoped3A_1102, %dma_wait3A_1154, %dma_wait3A_1155] : memref<2x128x128xf32, #tpu.memory_space<vmem>> -> memref<1x128x128xf32, #tpu.memory_space<vmem>>
      %dma_wait3A_1157 = tpu.memref_squeeze %dma_wait3A_1156 : memref<1x128x128xf32, #tpu.memory_space<vmem>> -> memref<128x128xf32, #tpu.memory_space<vmem>>
      tpu.wait_dma2 semaphore(%run_scoped3A_1133 : memref<!tpu.dma_semaphore, #tpu.memory_space<semaphore_mem>>) src(%dma_wait3A_1157 : memref<128x128xf32, #tpu.memory_space<vmem>>) dst(%dma_wait3A_1153 : memref<128x128xf32, #tpu.memory_space<hbm>>)
      tpu.yield
    }) : () -> ()
    %dma_wait3A_1103 = arith.constant 3 : i32
    %dma_wait3A_1104 = arith.constant 1 : i32
    %dma_wait3A_1105 = arith.constant 0 : i32
    %dma_wait3A_1106 = arith.constant 0 : i32
    %dma_wait3A_1107 = tpu.memref_slice %arg10[%dma_wait3A_1104, %dma_wait3A_1105, %dma_wait3A_1106] : memref<2x128x128xf32, #tpu.memory_space<vmem>> -> memref<1x128x128xf32, #tpu.memory_space<vmem>>
    %dma_wait3A_1108 = tpu.memref_squeeze %dma_wait3A_1107 : memref<1x128x128xf32, #tpu.memory_space<vmem>> -> memref<128x128xf32, #tpu.memory_space<vmem>>
    %dma_wait3A_1109 = arith.constant 0 : i32
    %dma_wait3A_1110 = tpu.memref_slice %arg8[%dma_wait3A_1103, %dma_wait3A_1109] : memref<4x128xi32, #tpu.memory_space<vmem>> -> memref<1x128xi32, #tpu.memory_space<vmem>>
    %dma_wait3A_1111 = tpu.memref_squeeze %dma_wait3A_1110 : memref<1x128xi32, #tpu.memory_space<vmem>> -> memref<128xi32, #tpu.memory_space<vmem>>
    %dma_wait3A_1112 = arith.constant 0 : i32
    %dma_wait3A_1113 = arith.constant 0 : i32
    %dma_wait3A_1114 = tpu.memref_slice %arg4[%dma_wait3A_1112, %dma_wait3A_1113] : memref<125000x128xf32, #tpu.memory_space<hbm>> -> memref<125000x128xf32, #tpu.memory_space<hbm>>
    tpu.wait_indirect_dma semaphore(%arg12 : memref<!tpu.dma_semaphore, #tpu.memory_space<semaphore_mem>>) src(%dma_wait3A_1114 : memref<125000x128xf32, #tpu.memory_space<hbm>>) dst(%dma_wait3A_1108 : memref<128x128xf32, #tpu.memory_space<vmem>>)
    %dma_wait3A_1115 = arith.constant 3 : i32
    %dma_wait3A_1116 = arith.constant 1 : i32
    %dma_wait3A_1117 = arith.constant 0 : i32
    %dma_wait3A_1118 = arith.constant 0 : i32
    %dma_wait3A_1119 = tpu.memref_slice %arg11[%dma_wait3A_1116, %dma_wait3A_1117, %dma_wait3A_1118] : memref<2x128x128xf32, #tpu.memory_space<vmem>> -> memref<1x128x128xf32, #tpu.memory_space<vmem>>
    %dma_wait3A_1120 = tpu.memref_squeeze %dma_wait3A_1119 : memref<1x128x128xf32, #tpu.memory_space<vmem>> -> memref<128x128xf32, #tpu.memory_space<vmem>>
    %dma_wait3A_1121 = arith.constant 0 : i32
    %dma_wait3A_1122 = tpu.memref_slice %arg9[%dma_wait3A_1115, %dma_wait3A_1121] : memref<4x128xi32, #tpu.memory_space<vmem>> -> memref<1x128xi32, #tpu.memory_space<vmem>>
    %dma_wait3A_1123 = tpu.memref_squeeze %dma_wait3A_1122 : memref<1x128xi32, #tpu.memory_space<vmem>> -> memref<128xi32, #tpu.memory_space<vmem>>
    %dma_wait3A_1124 = arith.constant 0 : i32
    %dma_wait3A_1125 = arith.constant 0 : i32
    %dma_wait3A_1126 = tpu.memref_slice %arg5[%dma_wait3A_1124, %dma_wait3A_1125] : memref<12500x128xf32, #tpu.memory_space<hbm>> -> memref<12500x128xf32, #tpu.memory_space<hbm>>
    tpu.wait_indirect_dma semaphore(%arg13 : memref<!tpu.dma_semaphore, #tpu.memory_space<semaphore_mem>>) src(%dma_wait3A_1126 : memref<12500x128xf32, #tpu.memory_space<hbm>>) dst(%dma_wait3A_1120 : memref<128x128xf32, #tpu.memory_space<vmem>>)
    %add3A_1127 = arith.constant 384 : i32
    %add3A_1128 = arith.addi %mul3A_2, %add3A_1127 : i32
    %run_scoped3A_1129 = arith.constant 1 : i32
    "tpu.region"() ({
      %run_scoped3A_1133 = tpu.sem_alloc : memref<!tpu.dma_semaphore, #tpu.memory_space<semaphore_mem>>
      %dma_start3A_1134 = arith.constant 0 : i32
      %dma_start3A_1135 = arith.constant 0 : i32
      %dma_start3A_1136 = tpu.memref_slice %arg10[%run_scoped3A_1129, %dma_start3A_1134, %dma_start3A_1135] : memref<2x128x128xf32, #tpu.memory_space<vmem>> -> memref<1x128x128xf32, #tpu.memory_space<vmem>>
      %dma_start3A_1137 = tpu.memref_squeeze %dma_start3A_1136 : memref<1x128x128xf32, #tpu.memory_space<vmem>> -> memref<128x128xf32, #tpu.memory_space<vmem>>
      %dma_start3A_1138 = arith.constant 0 : i32
      %dma_start3A_1139 = tpu.memref_slice %arg6[%add3A_1128, %dma_start3A_1138] : memref<16384x128xf32, #tpu.memory_space<hbm>> -> memref<128x128xf32, #tpu.memory_space<hbm>>
      %dma_start3A_1140 = arith.constant 0 : i32
      %dma_start3A_1141 = tpu.memref_slice %arg6[%add3A_1128, %dma_start3A_1140] : memref<16384x128xf32, #tpu.memory_space<hbm>> -> memref<128x128xf32, #tpu.memory_space<hbm>>
      %dma_start3A_1142 = arith.constant 0 : i32
      %dma_start3A_1143 = arith.constant 0 : i32
      %dma_start3A_1144 = tpu.memref_slice %arg10[%run_scoped3A_1129, %dma_start3A_1142, %dma_start3A_1143] : memref<2x128x128xf32, #tpu.memory_space<vmem>> -> memref<1x128x128xf32, #tpu.memory_space<vmem>>
      %dma_start3A_1145 = tpu.memref_squeeze %dma_start3A_1144 : memref<1x128x128xf32, #tpu.memory_space<vmem>> -> memref<128x128xf32, #tpu.memory_space<vmem>>
      tpu.enqueue_dma source(%dma_start3A_1145 : memref<128x128xf32, #tpu.memory_space<vmem>>) target(%dma_start3A_1141 : memref<128x128xf32, #tpu.memory_space<hbm>>) target_semaphore(%run_scoped3A_1133 : memref<!tpu.dma_semaphore, #tpu.memory_space<semaphore_mem>>)
      %dma_wait3A_1146 = arith.constant 0 : i32
      %dma_wait3A_1147 = arith.constant 0 : i32
      %dma_wait3A_1148 = tpu.memref_slice %arg10[%run_scoped3A_1129, %dma_wait3A_1146, %dma_wait3A_1147] : memref<2x128x128xf32, #tpu.memory_space<vmem>> -> memref<1x128x128xf32, #tpu.memory_space<vmem>>
      %dma_wait3A_1149 = tpu.memref_squeeze %dma_wait3A_1148 : memref<1x128x128xf32, #tpu.memory_space<vmem>> -> memref<128x128xf32, #tpu.memory_space<vmem>>
      %dma_wait3A_1150 = arith.constant 0 : i32
      %dma_wait3A_1151 = tpu.memref_slice %arg6[%add3A_1128, %dma_wait3A_1150] : memref<16384x128xf32, #tpu.memory_space<hbm>> -> memref<128x128xf32, #tpu.memory_space<hbm>>
      %dma_wait3A_1152 = arith.constant 0 : i32
      %dma_wait3A_1153 = tpu.memref_slice %arg6[%add3A_1128, %dma_wait3A_1152] : memref<16384x128xf32, #tpu.memory_space<hbm>> -> memref<128x128xf32, #tpu.memory_space<hbm>>
      %dma_wait3A_1154 = arith.constant 0 : i32
      %dma_wait3A_1155 = arith.constant 0 : i32
      %dma_wait3A_1156 = tpu.memref_slice %arg10[%run_scoped3A_1129, %dma_wait3A_1154, %dma_wait3A_1155] : memref<2x128x128xf32, #tpu.memory_space<vmem>> -> memref<1x128x128xf32, #tpu.memory_space<vmem>>
      %dma_wait3A_1157 = tpu.memref_squeeze %dma_wait3A_1156 : memref<1x128x128xf32, #tpu.memory_space<vmem>> -> memref<128x128xf32, #tpu.memory_space<vmem>>
      tpu.wait_dma2 semaphore(%run_scoped3A_1133 : memref<!tpu.dma_semaphore, #tpu.memory_space<semaphore_mem>>) src(%dma_wait3A_1157 : memref<128x128xf32, #tpu.memory_space<vmem>>) dst(%dma_wait3A_1153 : memref<128x128xf32, #tpu.memory_space<hbm>>)
      tpu.yield
    }) : () -> ()
    %add3A_1130 = arith.constant 384 : i32
    %add3A_1131 = arith.addi %mul3A_2, %add3A_1130 : i32
    %run_scoped3A_1132 = arith.constant 1 : i32
    "tpu.region"() ({
      %run_scoped3A_1133 = tpu.sem_alloc : memref<!tpu.dma_semaphore, #tpu.memory_space<semaphore_mem>>
      %dma_start3A_1134 = arith.constant 0 : i32
      %dma_start3A_1135 = arith.constant 0 : i32
      %dma_start3A_1136 = tpu.memref_slice %arg11[%run_scoped3A_1132, %dma_start3A_1134, %dma_start3A_1135] : memref<2x128x128xf32, #tpu.memory_space<vmem>> -> memref<1x128x128xf32, #tpu.memory_space<vmem>>
      %dma_start3A_1137 = tpu.memref_squeeze %dma_start3A_1136 : memref<1x128x128xf32, #tpu.memory_space<vmem>> -> memref<128x128xf32, #tpu.memory_space<vmem>>
      %dma_start3A_1138 = arith.constant 0 : i32
      %dma_start3A_1139 = tpu.memref_slice %arg7[%add3A_1131, %dma_start3A_1138] : memref<16384x128xf32, #tpu.memory_space<hbm>> -> memref<128x128xf32, #tpu.memory_space<hbm>>
      %dma_start3A_1140 = arith.constant 0 : i32
      %dma_start3A_1141 = tpu.memref_slice %arg7[%add3A_1131, %dma_start3A_1140] : memref<16384x128xf32, #tpu.memory_space<hbm>> -> memref<128x128xf32, #tpu.memory_space<hbm>>
      %dma_start3A_1142 = arith.constant 0 : i32
      %dma_start3A_1143 = arith.constant 0 : i32
      %dma_start3A_1144 = tpu.memref_slice %arg11[%run_scoped3A_1132, %dma_start3A_1142, %dma_start3A_1143] : memref<2x128x128xf32, #tpu.memory_space<vmem>> -> memref<1x128x128xf32, #tpu.memory_space<vmem>>
      %dma_start3A_1145 = tpu.memref_squeeze %dma_start3A_1144 : memref<1x128x128xf32, #tpu.memory_space<vmem>> -> memref<128x128xf32, #tpu.memory_space<vmem>>
      tpu.enqueue_dma source(%dma_start3A_1145 : memref<128x128xf32, #tpu.memory_space<vmem>>) target(%dma_start3A_1141 : memref<128x128xf32, #tpu.memory_space<hbm>>) target_semaphore(%run_scoped3A_1133 : memref<!tpu.dma_semaphore, #tpu.memory_space<semaphore_mem>>)
      %dma_wait3A_1146 = arith.constant 0 : i32
      %dma_wait3A_1147 = arith.constant 0 : i32
      %dma_wait3A_1148 = tpu.memref_slice %arg11[%run_scoped3A_1132, %dma_wait3A_1146, %dma_wait3A_1147] : memref<2x128x128xf32, #tpu.memory_space<vmem>> -> memref<1x128x128xf32, #tpu.memory_space<vmem>>
      %dma_wait3A_1149 = tpu.memref_squeeze %dma_wait3A_1148 : memref<1x128x128xf32, #tpu.memory_space<vmem>> -> memref<128x128xf32, #tpu.memory_space<vmem>>
      %dma_wait3A_1150 = arith.constant 0 : i32
      %dma_wait3A_1151 = tpu.memref_slice %arg7[%add3A_1131, %dma_wait3A_1150] : memref<16384x128xf32, #tpu.memory_space<hbm>> -> memref<128x128xf32, #tpu.memory_space<hbm>>
      %dma_wait3A_1152 = arith.constant 0 : i32
      %dma_wait3A_1153 = tpu.memref_slice %arg7[%add3A_1131, %dma_wait3A_1152] : memref<16384x128xf32, #tpu.memory_space<hbm>> -> memref<128x128xf32, #tpu.memory_space<hbm>>
      %dma_wait3A_1154 = arith.constant 0 : i32
      %dma_wait3A_1155 = arith.constant 0 : i32
      %dma_wait3A_1156 = tpu.memref_slice %arg11[%run_scoped3A_1132, %dma_wait3A_1154, %dma_wait3A_1155] : memref<2x128x128xf32, #tpu.memory_space<vmem>> -> memref<1x128x128xf32, #tpu.memory_space<vmem>>
      %dma_wait3A_1157 = tpu.memref_squeeze %dma_wait3A_1156 : memref<1x128x128xf32, #tpu.memory_space<vmem>> -> memref<128x128xf32, #tpu.memory_space<vmem>>
      tpu.wait_dma2 semaphore(%run_scoped3A_1133 : memref<!tpu.dma_semaphore, #tpu.memory_space<semaphore_mem>>) src(%dma_wait3A_1157 : memref<128x128xf32, #tpu.memory_space<vmem>>) dst(%dma_wait3A_1153 : memref<128x128xf32, #tpu.memory_space<hbm>>)
      tpu.yield
    }) : () -> ()
    return
  }
}

module attributes {stable_mosaic.version = 14 : i64} {
  func.func @_mlp_body(%arg0: i32, %arg1: memref<2048x128xf32, #tpu.memory_space<vmem>>, %arg2: memref<2048x128xf32, #tpu.memory_space<vmem>>, %arg3: memref<2048x1xi32, #tpu.memory_space<vmem>>, %arg4: memref<2048x1xi32, #tpu.memory_space<vmem>>, %arg5: memref<2048x1xf32, #tpu.memory_space<vmem>>, %arg6: memref<128x32xf32, #tpu.memory_space<vmem>>, %arg7: memref<128x32xf32, #tpu.memory_space<vmem>>, %arg8: memref<1x32xf32, #tpu.memory_space<vmem>>, %arg9: memref<1x32xf32, #tpu.memory_space<vmem>>, %arg10: memref<32x1xf32, #tpu.memory_space<vmem>>, %arg11: memref<1x1xf32, #tpu.memory_space<vmem>>, %arg12: memref<2048x1xf32, #tpu.memory_space<vmem>>) attributes {dimension_semantics = [#tpu.dimension_semantics<arbitrary>], iteration_bounds = array<i64: 8>, scalar_prefetch = 0 : i64, scratch_operands = 0 : i64, tpu.core_type = #tpu.core_type<tc>, window_params = [{transform_indices = @transform_0, window_bounds = array<i64: 2048, 128>}, {transform_indices = @transform_1, window_bounds = array<i64: 2048, 128>}, {transform_indices = @transform_2, window_bounds = array<i64: 2048, 1>}, {transform_indices = @transform_3, window_bounds = array<i64: 2048, 1>}, {transform_indices = @transform_4, window_bounds = array<i64: 2048, 1>}, {pipeline_mode = #tpu.pipeline_mode<synchronous>, transform_indices = @transform_5, window_bounds = array<i64: 128, 32>}, {pipeline_mode = #tpu.pipeline_mode<synchronous>, transform_indices = @transform_6, window_bounds = array<i64: 128, 32>}, {pipeline_mode = #tpu.pipeline_mode<synchronous>, transform_indices = @transform_7, window_bounds = array<i64: 1, 32>}, {pipeline_mode = #tpu.pipeline_mode<synchronous>, transform_indices = @transform_8, window_bounds = array<i64: 1, 32>}, {pipeline_mode = #tpu.pipeline_mode<synchronous>, transform_indices = @transform_9, window_bounds = array<i64: 32, 1>}, {pipeline_mode = #tpu.pipeline_mode<synchronous>, transform_indices = @transform_10, window_bounds = array<i64: 1, 1>}, {transform_indices = @transform_11, window_bounds = array<i64: 2048, 1>}]} {
    %iota3A = tpu.iota {dimensions = array<i32: 1>} : vector<2048x128xi32>
    %shift_right_arithmetic3A = arith.constant 4 : i32
    %shift_right_arithmetic3A_0 = vector.broadcast %shift_right_arithmetic3A : i32 to vector<2048x128xi32>
    %shift_right_arithmetic3A_1 = arith.shrsi %iota3A, %shift_right_arithmetic3A_0 : vector<2048x128xi32>
    %get3A = arith.constant 0 : index
    %get3A_2 = arith.constant 0 : index
    %get3A_3 = vector.load %arg3[%get3A, %get3A_2] : memref<2048x1xi32, #tpu.memory_space<vmem>>, vector<2048x1xi32>
    %and3A = arith.constant 7 : i32
    %and3A_4 = vector.broadcast %and3A : i32 to vector<2048x1xi32>
    %and3A_5 = arith.andi %get3A_3, %and3A_4 : vector<2048x1xi32>
    %eq3A = vector.broadcast %and3A_5 : vector<2048x1xi32> to vector<2048x128xi32>
    %eq3A_6 = arith.cmpi eq, %shift_right_arithmetic3A_1, %eq3A : vector<2048x128xi32>
    %get3A_7 = arith.constant 0 : index
    %get3A_8 = arith.constant 0 : index
    %get3A_9 = vector.load %arg1[%get3A_7, %get3A_8] : memref<2048x128xf32, #tpu.memory_space<vmem>>, vector<2048x128xf32>
    %jit3A = arith.constant 0.000000e+00 : f32
    %broadcast_in_dim3A = vector.broadcast %jit3A : f32 to vector<2048x128xf32>
    %select_n3A = arith.select %eq3A_6, %get3A_9, %broadcast_in_dim3A : vector<2048x128xi1>, vector<2048x128xf32>
    %get3A_10 = arith.constant 0 : index
    %get3A_11 = arith.constant 0 : index
    %get3A_12 = vector.load %arg4[%get3A_10, %get3A_11] : memref<2048x1xi32, #tpu.memory_space<vmem>>, vector<2048x1xi32>
    %and3A_13 = arith.constant 7 : i32
    %and3A_14 = vector.broadcast %and3A_13 : i32 to vector<2048x1xi32>
    %and3A_15 = arith.andi %get3A_12, %and3A_14 : vector<2048x1xi32>
    %eq3A_16 = vector.broadcast %and3A_15 : vector<2048x1xi32> to vector<2048x128xi32>
    %eq3A_17 = arith.cmpi eq, %shift_right_arithmetic3A_1, %eq3A_16 : vector<2048x128xi32>
    %get3A_18 = arith.constant 0 : index
    %get3A_19 = arith.constant 0 : index
    %get3A_20 = vector.load %arg2[%get3A_18, %get3A_19] : memref<2048x128xf32, #tpu.memory_space<vmem>>, vector<2048x128xf32>
    %jit3A_21 = arith.constant 0.000000e+00 : f32
    %broadcast_in_dim3A_22 = vector.broadcast %jit3A_21 : f32 to vector<2048x128xf32>
    %select_n3A_23 = arith.select %eq3A_17, %get3A_20, %broadcast_in_dim3A_22 : vector<2048x128xi1>, vector<2048x128xf32>
    %get3A_24 = arith.constant 0 : index
    %get3A_25 = arith.constant 0 : index
    %get3A_26 = vector.load %arg6[%get3A_24, %get3A_25] : memref<128x32xf32, #tpu.memory_space<vmem>>, vector<128x32xf32>
    %dot_general3A = arith.constant dense<0.000000e+00> : vector<2048x32xf32>
    %dot_general3A_27 = tpu.matmul %select_n3A, %get3A_26, %dot_general3A {dimension_numbers = #tpu.dot_dimension_numbers<[1], [0], [0], [1], [0, 0, 1, 1], [], []>, transpose_lhs_hint = false} : vector<2048x128xf32>, vector<128x32xf32>, vector<2048x32xf32> -> vector<2048x32xf32>
    %get3A_28 = arith.constant 0 : index
    %get3A_29 = arith.constant 0 : index
    %get3A_30 = vector.load %arg7[%get3A_28, %get3A_29] : memref<128x32xf32, #tpu.memory_space<vmem>>, vector<128x32xf32>
    %dot_general3A_31 = arith.constant dense<0.000000e+00> : vector<2048x32xf32>
    %dot_general3A_32 = tpu.matmul %select_n3A_23, %get3A_30, %dot_general3A_31 {dimension_numbers = #tpu.dot_dimension_numbers<[1], [0], [0], [1], [0, 0, 1, 1], [], []>, transpose_lhs_hint = false} : vector<2048x128xf32>, vector<128x32xf32>, vector<2048x32xf32> -> vector<2048x32xf32>
    %add3A = arith.addf %dot_general3A_27, %dot_general3A_32 : vector<2048x32xf32>
    %get3A_33 = arith.constant 0 : index
    %get3A_34 = arith.constant 0 : index
    %get3A_35 = vector.load %arg5[%get3A_33, %get3A_34] : memref<2048x1xf32, #tpu.memory_space<vmem>>, vector<2048x1xf32>
    %get3A_36 = arith.constant 0 : index
    %get3A_37 = arith.constant 0 : index
    %get3A_38 = vector.load %arg8[%get3A_36, %get3A_37] : memref<1x32xf32, #tpu.memory_space<vmem>>, vector<1x32xf32>
    %mul3A = vector.broadcast %get3A_35 : vector<2048x1xf32> to vector<2048x32xf32>
    %mul3A_39 = vector.broadcast %get3A_38 : vector<1x32xf32> to vector<2048x32xf32>
    %mul3A_40 = arith.mulf %mul3A, %mul3A_39 : vector<2048x32xf32>
    %add3A_41 = arith.addf %add3A, %mul3A_40 : vector<2048x32xf32>
    %get3A_42 = arith.constant 0 : index
    %get3A_43 = arith.constant 0 : index
    %get3A_44 = vector.load %arg9[%get3A_42, %get3A_43] : memref<1x32xf32, #tpu.memory_space<vmem>>, vector<1x32xf32>
    %add3A_45 = vector.broadcast %get3A_44 : vector<1x32xf32> to vector<2048x32xf32>
    %add3A_46 = arith.addf %add3A_41, %add3A_45 : vector<2048x32xf32>
    %max3A = arith.constant 0.000000e+00 : f32
    %max3A_47 = vector.broadcast %max3A : f32 to vector<2048x32xf32>
    %max3A_48 = arith.maximumf %add3A_46, %max3A_47 : vector<2048x32xf32>
    %get3A_49 = arith.constant 0 : index
    %get3A_50 = arith.constant 0 : index
    %get3A_51 = vector.load %arg10[%get3A_49, %get3A_50] : memref<32x1xf32, #tpu.memory_space<vmem>>, vector<32x1xf32>
    %dot_general3A_52 = arith.constant dense<0.000000e+00> : vector<2048x1xf32>
    %dot_general3A_53 = tpu.matmul %max3A_48, %get3A_51, %dot_general3A_52 {dimension_numbers = #tpu.dot_dimension_numbers<[1], [0], [0], [1], [0, 0, 1, 1], [], []>, transpose_lhs_hint = false} : vector<2048x32xf32>, vector<32x1xf32>, vector<2048x1xf32> -> vector<2048x1xf32>
    %get3A_54 = arith.constant 0 : index
    %get3A_55 = arith.constant 0 : index
    %get3A_56 = vector.load %arg11[%get3A_54, %get3A_55] : memref<1x1xf32, #tpu.memory_space<vmem>>, vector<1x1xf32>
    %add3A_57 = vector.broadcast %get3A_56 : vector<1x1xf32> to vector<2048x1xf32>
    %add3A_58 = arith.addf %dot_general3A_53, %add3A_57 : vector<2048x1xf32>
    %neg3A = arith.constant 0.000000e+00 : f32
    %neg3A_59 = vector.broadcast %neg3A : f32 to vector<2048x1xf32>
    %neg3A_60 = arith.subf %neg3A_59, %add3A_58 : vector<2048x1xf32>
    %exp3A = math.exp %neg3A_60 : vector<2048x1xf32>
    %add3A_61 = arith.constant 1.000000e+00 : f32
    %add3A_62 = vector.broadcast %add3A_61 : f32 to vector<2048x1xf32>
    %add3A_63 = arith.addf %add3A_62, %exp3A : vector<2048x1xf32>
    %div3A = arith.constant 1.000000e+00 : f32
    %div3A_64 = vector.broadcast %div3A : f32 to vector<2048x1xf32>
    %div3A_65 = arith.divf %div3A_64, %add3A_63 : vector<2048x1xf32>
    %swap3A = arith.constant 0 : index
    %swap3A_66 = arith.constant 0 : index
    %swap3A_67 = vector.load %arg12[%swap3A, %swap3A_66] : memref<2048x1xf32, #tpu.memory_space<vmem>>, vector<2048x1xf32>
    tpu.vector_store %arg12[%swap3A, %swap3A_66], %div3A_65 {strides = array<i32>} : memref<2048x1xf32, #tpu.memory_space<vmem>>, vector<2048x1xf32>,
    return
  }
  func.func @transform_0(%arg0: i32) -> (i32, i32) {
    %c0_i32 = arith.constant 0 : i32
    %c0_i32_0 = arith.constant 0 : i32
    return %arg0, %c0_i32 : i32, i32
  }
  func.func @transform_1(%arg0: i32) -> (i32, i32) {
    %c0_i32 = arith.constant 0 : i32
    %c0_i32_0 = arith.constant 0 : i32
    return %arg0, %c0_i32 : i32, i32
  }
  func.func @transform_2(%arg0: i32) -> (i32, i32) {
    %c0_i32 = arith.constant 0 : i32
    %c0_i32_0 = arith.constant 0 : i32
    return %arg0, %c0_i32 : i32, i32
  }
  func.func @transform_3(%arg0: i32) -> (i32, i32) {
    %c0_i32 = arith.constant 0 : i32
    %c0_i32_0 = arith.constant 0 : i32
    return %arg0, %c0_i32 : i32, i32
  }
  func.func @transform_4(%arg0: i32) -> (i32, i32) {
    %c0_i32 = arith.constant 0 : i32
    %c0_i32_0 = arith.constant 0 : i32
    return %arg0, %c0_i32 : i32, i32
  }
  func.func @transform_5(%arg0: i32) -> (i32, i32) {
    %c0_i32 = arith.constant 0 : i32
    %c0_i32_0 = arith.constant 0 : i32
    %c0_i32_1 = arith.constant 0 : i32
    return %c0_i32, %c0_i32_0 : i32, i32
  }
  func.func @transform_6(%arg0: i32) -> (i32, i32) {
    %c0_i32 = arith.constant 0 : i32
    %c0_i32_0 = arith.constant 0 : i32
    %c0_i32_1 = arith.constant 0 : i32
    return %c0_i32, %c0_i32_0 : i32, i32
  }
  func.func @transform_7(%arg0: i32) -> (i32, i32) {
    %c0_i32 = arith.constant 0 : i32
    %c0_i32_0 = arith.constant 0 : i32
    %c0_i32_1 = arith.constant 0 : i32
    return %c0_i32, %c0_i32_0 : i32, i32
  }
  func.func @transform_8(%arg0: i32) -> (i32, i32) {
    %c0_i32 = arith.constant 0 : i32
    %c0_i32_0 = arith.constant 0 : i32
    %c0_i32_1 = arith.constant 0 : i32
    return %c0_i32, %c0_i32_0 : i32, i32
  }
  func.func @transform_9(%arg0: i32) -> (i32, i32) {
    %c0_i32 = arith.constant 0 : i32
    %c0_i32_0 = arith.constant 0 : i32
    %c0_i32_1 = arith.constant 0 : i32
    return %c0_i32, %c0_i32_0 : i32, i32
  }
  func.func @transform_10(%arg0: i32) -> (i32, i32) {
    %c0_i32 = arith.constant 0 : i32
    %c0_i32_0 = arith.constant 0 : i32
    %c0_i32_1 = arith.constant 0 : i32
    return %c0_i32, %c0_i32_0 : i32, i32
  }
  func.func @transform_11(%arg0: i32) -> (i32, i32) {
    %c0_i32 = arith.constant 0 : i32
    %c0_i32_0 = arith.constant 0 : i32
    return %arg0, %c0_i32 : i32, i32
  }
}

</mosaic_0001>

<sc_bundles>
// kernel: kernel.4.cloned.1.call-start
scs
__scs_entry_jumppad:
0x0: {  	(pc) =	sbr.rel $0x88, $3  }
0x1: {  	(tag) =	ssettag $0x0;
	lr =	simm.s32 $0x1  }
0x2: {  	[smem:$0x3F98] =	sst lr;
	_ =	strace $0xD0000000  }
0x3: {  	_ = 	snop  }
0x4: {  	_ = 	snop  }
0x5: {  	_ = 	snop  }
0x6: {  	_ = 	snop  }
0x7: {  	_ = 	snop  }
__scs_overlays_trampoline_lowered:
0x8: {  	[smem:$0x3FA7] =	sst s0  }
0x9: {  	[smem:$0x3FA8] =	sst s1  }
0xa: {  	[smem:$0x3FA9] =	sst s2  }
0xb: {  	[smem:$0x3FAA] =	sst s3  }
0xc: {  	[smem:$0x3FAB] =	sst s4  }
0xd: {  	[smem:$0x3FAC] =	sst s5  }
0xe: {  	[smem:$0x3FAD] =	sst s6  }
0xf: {  	[smem:$0x3FAE] =	sst s7  }
0x10: {  	[smem:$0x3FAF] =	sst s8  }
0x11: {  	[smem:$0x3FB0] =	sst s9;
	s0 =	simm.s32 @!p0 $0x0  }
0x12: {  	s1 =	sld [smem:$0x3F96];
	s0 =	simm.s32 @p0 $0x1  }
0x13: {  	[smem:$0x3FB1] =	sst s0;
	s0 =	simm.s32 @!p1 $0x0  }
0x14: {  	s2 =	sld [smem:$0x3F95];
	s0 =	simm.s32 @p1 $0x1  }
0x15: {  	[smem:$0x3FB2] =	sst s0;
	s0 =	simm.s32 @!p2 $0x0  }
0x16: {  	s3 =	sld [smem:$0x3FDB];
	s0 =	simm.s32 @p2 $0x1  }
0x17: {  	s4 =	simm.s32 $0x1BF5;
	[smem:$0x3FB4] =	sst s0  }
0x18: {  	s0 =	sld [smem:$0x3F97];
	_ =	swait.ge [sflag:s4], $0x0  }
0x19: {  	s7 =	sld [smem:$0x3F98]  }
0x1a: {  	s8 =	sadd.s32 $0xFFFFE003, lr  }
0x1b: {  	s9 =	sadd.s32 $0xFFFFFEF7, lr;
	s5 =	simm.s32 $0xFFFFFFFF;
	p2 =	slt.u32 s8, $0xFFFFF086  }
0x1c: {  	p1 =	slt.u32 s9, $0xF7A;
	s5 =	simm.s32 @!p2 $0x0  }
0x1d: {  	s5 =	simm.s32 @p1 $0x1;
	p0 =	seq.s32 s7, s2  }
0x1e: {  	s7 =	smul.u32 @!p0 $0xF7A, s2;
	p2 =	seq.s32 @!p0 s5, $0x0  }
0x1f: {  	s9 =	smul.u32 $0xF7A, s1;
	s8 =	simm.s32 @!p0 $0x1BF5;
	p2 =	por !p2, p0  }
0x20: {  	[sflag:s8] =	ssyncset.s32 @!p0 $0xFFFFF086;
	s6 =	sadd.s32 @!p0 s3, s7;
	s7 =	simm.s32 @!p0 $0x108  }
0x21: {  	s3 =	sadd.s32 s3, s9;
	s6 =	sadd.s32 @!p0 $0x88, s6;
	s7 =	simm.s32 @p2 $0x1082  }
0x22: {  	[simem:s7], [sflag:s8] =	dma.local @!p0 [hbm:s6], $0xF7A  }
0x23: {  	s9 =	sor.u32 $0xD0000000, s2;
	s6 =	simm.s32 $0x108;
	_ =	swait.ge @!p0 [sflag:s8], $0x0  }
0x24: {  	s3 =	sadd.s32 $0x88, s3;
	s6 =	simm.s32 @!p1 $0x1082;
	[sflag:s4] =	ssyncset.s32 $0xFFFFF086  }
0x25: {  	[simem:s6], [sflag:s4] =	dma.local [hbm:s3], $0xF7A  }
0x26: {  	[smem:$0x3F98] =	sst s1;
	(tag) =	ssettag s2;
	_ =	strace s9  }
0x27: {  	s1 =	sld [smem:$0x3FA8]  }
0x28: {  	s2 =	sld [smem:$0x3FA9]  }
0x29: {  	s4 =	sld [smem:$0x3FAB]  }
0x2a: {  	p0 =	seq.s32 s5, $0x0;
	s5 =	sld [smem:$0x3FAC]  }
0x2b: {  	s6 =	sld [smem:$0x3FAD]  }
0x2c: {  	s7 =	sld [smem:$0x3FAE]  }
0x2d: {  	s3 =	simm.s32 $0x108;
	s8 =	sld [smem:$0x3FAF]  }
0x2e: {  	s3 =	simm.s32 @!p0 $0x1082;
	s9 =	sld [smem:$0x3FB0]  }
0x2f: {  	lr =	sadd.s32 s0, s3;
	s0 =	sld [smem:$0x3FA7]  }
0x30: {  	s3 =	sld [smem:$0x3FAA]  }
0x31: {  	[smem:$0x3FB3] =	sst s10  }
0x32: {  	s10 =	sld [smem:$0x3FB1];
	_ =	sdelay $0x3  }
0x33: {  	p0 =	seq.s32 s10, $0x1;
	s10 =	sld [smem:$0x3FB3];
	_ =	sdelay $0x3  }
0x34: {  	[smem:$0x3FB3] =	sst s10  }
0x35: {  	s10 =	sld [smem:$0x3FB2];
	_ =	sdelay $0x3  }
0x36: {  	p1 =	seq.s32 s10, $0x1;
	s10 =	sld [smem:$0x3FB3];
	_ =	sdelay $0x3  }
0x37: {  	[smem:$0x3FB3] =	sst s10  }
0x38: {  	s10 =	sld [smem:$0x3FB4]  }
0x39: {  	_ = 	snop;
	(pc) =	sbr.ind lr, $3  }
0x3a: {  	_ = 	snop  }
0x3b: {  	_ = 	snop  }
0x3c: {  	p2 =	seq.s32 s10, $0x1;
	s10 =	sld [smem:$0x3FB3]  }
0x3d: {  	_ =	shalt  }
0x3e: {  	_ =	shalt  }
0x3f: {  	_ =	shalt  }
0x40: {  	_ =	shalt  }
0x41: {  	_ =	shalt  }
0x42: {  	_ =	shalt  }
0x43: {  	_ =	shalt  }
0x44: {  	_ =	shalt  }
0x45: {  	_ =	shalt  }
0x46: {  	_ =	shalt  }
0x47: {  	_ =	shalt  }
0x48: {  	_ =	shalt  }
0x49: {  	_ =	shalt  }
0x4a: {  	_ =	shalt  }
0x4b: {  	_ =	shalt  }
0x4c: {  	_ =	shalt  }
0x4d: {  	_ =	shalt  }
0x4e: {  	_ =	shalt  }
0x4f: {  	_ =	shalt  }
0x50: {  	_ =	shalt  }
0x51: {  	_ =	shalt  }
0x52: {  	_ =	shalt  }
0x53: {  	_ =	shalt  }
0x54: {  	_ =	shalt  }
0x55: {  	_ =	shalt  }
0x56: {  	_ =	shalt  }
0x57: {  	_ =	shalt  }
0x58: {  	_ =	shalt  }
0x59: {  	_ =	shalt  }
0x5a: {  	_ =	shalt  }
0x5b: {  	_ =	shalt  }
0x5c: {  	_ =	shalt  }
0x5d: {  	_ =	shalt  }
0x5e: {  	_ =	shalt  }
0x5f: {  	_ =	shalt  }
0x60: {  	_ =	shalt  }
0x61: {  	_ =	shalt  }
0x62: {  	_ =	shalt  }
0x63: {  	_ =	shalt  }
0x64: {  	_ =	shalt  }
0x65: {  	_ =	shalt  }
0x66: {  	_ =	shalt  }
0x67: {  	_ =	shalt  }
0x68: {  	_ =	shalt  }
0x69: {  	_ =	shalt  }
0x6a: {  	_ =	shalt  }
0x6b: {  	_ =	shalt  }
0x6c: {  	_ =	shalt  }
0x6d: {  	_ =	shalt  }
0x6e: {  	_ =	shalt  }
0x6f: {  	_ =	shalt  }
0x70: {  	_ =	shalt  }
0x71: {  	_ =	shalt  }
0x72: {  	_ =	shalt  }
0x73: {  	_ =	shalt  }
0x74: {  	_ =	shalt  }
0x75: {  	_ =	shalt  }
0x76: {  	_ =	shalt  }
0x77: {  	_ =	shalt  }
0x78: {  	_ =	shalt  }
0x79: {  	_ =	shalt  }
0x7a: {  	_ =	shalt  }
0x7b: {  	_ =	shalt  }
0x7c: {  	_ =	shalt  }
0x7d: {  	_ =	shalt  }
0x7e: {  	_ =	shalt  }
0x7f: {  	_ =	shalt  }
0x80: {  	_ =	shalt  }
0x81: {  	_ =	shalt  }
0x82: {  	_ =	shalt  }
0x83: {  	_ =	shalt  }
0x84: {  	_ =	shalt  }
0x85: {  	_ =	shalt  }
0x86: {  	_ =	shalt  }
0x87: {  	_ =	shalt  }
.Lfunc_end0:
.L_simem_size_0:
called_computation_lowered:
.L_overlay_start_0:
0x88: {  	s2 =	sld [smem:$0x3FD9]  }
0x89: {  	s3 =	sld [smem:$0x3FFE];
	_ =	sdelay $0x1  }
0x8a: {  	s1 =	srdreg.scid  }
0x8b: {  	s0 =	sand.u32 $0x1, s1  }
0x8c: {  	s17 =	sshll.u32 s0, $0xA;
	s2 =	sadd.s32 s3, s2  }
0x8d: {  	s2 =	sadd.s32 s2, s17  }
0x8e: {  	[smem:$0x3FBF] =	sst s2  }
0x8f: {  	_ = 	snop  }
0x90: {  	s2 =	sld [smem:$0x3FC9]  }
0x91: {  	s18 =	sld [smem:$0x3FC8];
	(tm) =	ssettm $0x1  }
0x92: {  	s4 =	sld [smem:$0x3FFB];
	_ =	sdelay $0x3  }
0x93: {  	_ =	strace s4  }
0x94: {  	s4 =	sld [smem:$0x3FFC];
	_ =	sdelay $0x3  }
0x95: {  	_ =	strace s4  }
0x96: {  	s4 =	sld [smem:$0x3FFD];
	_ =	sdelay $0x3  }
0x97: {  	_ =	strace s4  }
0x98: {  	_ =	strace $0x8FFFFFFF  }
0x99: {  	s19 =	sld [smem:$0x3FDB];
	_ =	sdelay $0x1  }
0x9a: {  	s5 =	simm.s32 $_scs_section_size  }
0x9b: {  	s6 =	simm.s32 $_size__tile_overlayer_lowered;
	s7 =	simm.s32 $_tile_overlayer_lowered  }
0x9c: {  	s22 =	simm.s32 $0x1BFF;
	s21 =	sshll.u32 s7, $0x1;
	s4 =	sadd.s32 s5, s19  }
0x9d: {  	s8 =	simm.s32 $0x0;
	s20 =	sshll.u32 s6, $0x1;
	s6 =	sadd.s32 s21, s4  }
0x9e: {  	[timem:s8], [sflag:s22] =	dma.local [hbm:s6], s20  }
0x9f: {  	_ =	swait.ge [sflag:s22], s20  }
0xa0: {  	s5 =	ssub.s32 $0x0, s20;
	[sflag:s22] =	ssyncset.done $0x0  }
0xa1: {  	[sflag:s22] =	ssyncadd.s32 s5;
	_ =	sdelay $0x1  }
0xa2: {  	s23 =	simm.s32 $0x1B8B  }
0xa3: {  	_ =	swait.ge [sflag:s23], $0x1  }
0xa4: {  	[sflag:s23] =	ssyncset.done $0x0  }
0xa5: {  	s25 =	simm.s32 $0x1B8E;
	s24 =	sld [smem:$0x3FFE];
	[sflag:s23] =	ssyncadd.s32 $0xFFFFFFFF  }
0xa6: {  	s26 =	simm.s32 $execute0_lowered;
	[smem:$0x3FD2] =	sst s25  }
0xa7: {  	s6 =	sshll.u32 s26, $0x1;
	_ =	strace $0x80000046;
	[dreg:$0x1] =	wrdreg $0xFFFFFFFF  }
0xa8: {  	s28 =	simm.s32 $_size_execute0_lowered;
	s4 =	sadd.s32 s4, s6;
	[dreg:$0x0] =	wrdreg $0x0  }
0xa9: {  	s6 =	sshll.u32 s28, $0x1;
	[dreg:$0x2] =	wrdreg s4  }
0xaa: {  	[dreg:$0x3] =	wrdreg s6  }
0xab: {  	[dreg:$0x4] =	wrdreg $0xC0  }
0xac: {  	_ =	task [dreg:s8], $0x5FFFF  }
0xad: {  	[dreg:$0x1] =	wrdreg $0xFFFFFFFF  }
0xae: {  	[dreg:$0x0] =	wrdreg $0x60  }
0xaf: {  	[dreg:$0x2] =	wrdreg s2  }
0xb0: {  	[dreg:$0x3] =	wrdreg s18  }
0xb1: {  	[dreg:$0x4] =	wrdreg s24  }
0xb2: {  	[dreg:$0x5] =	wrdreg $0x9  }
0xb3: {  	_ =	task.clear_ibuf [dreg:s8], $0x6FFFF;
	_ =	strace $0x90000046  }
0xb4: {  	s29 =	simm.s32 $0x9;
	_ =	strace $0x80000048  }
0xb5: {  	_ =	swait.ge [sflag:s29], $0x1  }
0xb6: {  	[sflag:s29] =	ssyncadd.s32 $0xFFFFFFFF  }
0xb7: {  	_ =	strace $0x90000048  }
0xb8: {  	_ =	sfence  }
0xb9: {  	s30 =	sld [smem:$0x0];
	_ =	sdelay $0x2  }
0xba: {  	s31 =	sshll.u32 s1, $0xD;
	s1 =	sshrl.u32 s1, $0x2  }
0xbb: {  	s3 =	sand.u32 $0x4000, s31;
	s1 =	sadd.s32 s1, s30  }
0xbc: {  	s0 =	sor.u32 s3, s0;
	s1 =	sshll.u32 s1, $0x11  }
0xbd: {  	s0 =	sor.u32 s1, s0  }
0xbe: {  	s0 =	sadd.s32 $0x8F2B, s0  }
0xbf: {  	[sflag:s0] =	ssyncadd.remote.s32 $0x1  }
0xc0: {  	_ =	sfence.sel $0xFFFF  }
0xc1: {  	[dreg:$0x0] =	wrdreg $0xFFFFFFFF;
	(pc) =	sbr.abs _section_cstart, $3  }
0xc2: {  	[dreg:$0x1] =	wrdreg $0xFFFFFFFF  }
0xc3: {  	_ =	task.clear_ibuf [dreg:s8], $0x2FFFF;
	_ =	strace $0x9FFFFFFF  }
0xc4: {  	(tm) =	ssettm $0x7FFFFFFF  }
0xc5: {  	_ =	shalt  }
tec
execute0_lowered:
.L_overlay_start_1:
0x0: {  	(tag) =	ssettag $0x1  }
0x1: {  	s0 =	rddreg [dreg:$0x0]  }
0x2: {  	s8 =	rddreg [dreg:$0x1]  }
0x3: {  	s5 =	rddreg [dreg:$0x2];
	s2 =	simm.s32 $0x0;
	s3 =	srdreg.scid  }
0x4: {  	s1 =	stileid.u32;
	s28 =	simm.s32 $0x8400;
	s29 =	simm.s32 $0x4400  }
0x5: {  	s30 =	simm.s32 $0xC400;
	s31 =	simm.s32 $0x1;
	[smem:$0x7FF] =	sst s2  }
0x6: {  	s6 =	sand.u32 $0x1, s3;
	s7 =	sshll.u32 s1, $0xA;
	s3 =	sadd.s32 $0xF43A00, s5  }
0x7: {  	s4 =	sadd.s32 $0x188000, s5;
	s15 =	sadd.s32 $0x1600, s5;
	s9 =	sshll.u32 s6, $0x9  }
0x8: {  	s16 =	sadd.s32 $0x41600, s5;
	s6 =	ssub.s32 $0x2, s6;
	s9 =	sor.u32 s9, s7  }
0x9: {  	_ =	strace $0x80000047;
	s11 =	sshrl.u32 s6, $0x1;
	s18 =	sshrl.u32 s9, $0x3  }
0xa: {  	s10 =	sor.u32 $0x80, s9;
	s17 =	ssub.s32 s6, s11;
	s12 =	sor.u32 $0x100, s9  }
0xb: {  	s14 =	sor.u32 $0x180, s9;
	s25 =	sshll.u32 s9, $0x4;
	s19 =	sadd.s32 s0, s18  }
0xc: {  	s5 =	sadd.s32 s8, s18;
	s20 =	sshrl.u32 s10, $0x3;
	s23 =	sshrl.u32 s12, $0x3  }
0xd: {  	s24 =	sshrl.u32 s14, $0x3;
	s9 =	sadd.s32 s15, s25;
	s13 =	sshll.u32 s10, $0x4  }
0xe: {  	s10 =	sadd.s32 s16, s25;
	s26 =	sshll.u32 s12, $0x4;
	s18 =	sshll.u32 s14, $0x4  }
0xf: {  	s17 =	smax.u32 s17, $0x1;
	s25 =	simm.s32 $0x380;
	[dreg:$0x4] =	wrdreg s19  }
0x10: {  	[dreg:$0x5] =	wrdreg s5;
	s21 =	sadd.s32 s0, s20;
	s22 =	sadd.s32 s8, s20  }
0x11: {  	s5 =	sadd.s32 s0, s23;
	s6 =	sadd.s32 s8, s23;
	s7 =	sadd.s32 s0, s24  }
0x12: {  	s8 =	sadd.s32 s8, s24;
	s11 =	sadd.s32 s15, s13;
	s12 =	sadd.s32 s16, s13  }
0x13: {  	s13 =	sadd.s32 s15, s26;
	s14 =	sadd.s32 s16, s26;
	s15 =	sadd.s32 s15, s18  }
0x14: {  	s16 =	sadd.s32 s16, s18;
	s18 =	simm.s32 $0x3;
	s19 =	simm.s32 $0x200  }
0x15: {  	s20 =	simm.s32 $0x80;
	s23 =	simm.s32 $0x300;
	s24 =	simm.s32 $0x180  }
0x16: {  	s26 =	simm.s32 $0x400;
	s0 =	simm.s32 $0x2;
	[dreg:$0x6] =	wrdreg s21  }
0x17: {  	[dreg:$0x7] =	wrdreg s22;
	s21 =	simm.s32 $0x280;
	s22 =	simm.s32 $0x100  }
.LBB2_1:
0x18: {  	s1 =	rddreg [dreg:$0x4]  }
0x19: {  	[tilespmem:s2], [sflag:$0x3] =	stream.linear.gather [hbm4b:s1+s2], $0x80, $0x38;
	[tilespmem:$0x10400] =	vst v63  }
0x1a: {  	_ =	swait.ge [sflag:s18], $0x80  }
0x1b: {  	[sflag:s18] =	ssyncset.done $0x0  }
0x1c: {  	s1 =	rddreg [dreg:$0x5];
	[sflag:s18] =	ssyncadd.s32 $0xFFFFFF80  }
0x1d: {  	[tilespmem:s19], [sflag:$0x3] =	stream.linear.gather [hbm4b:s1+s2], $0x80, $0x38;
	[tilespmem:$0x10400] =	vst v63  }
0x1e: {  	_ =	swait.ge [sflag:s18], $0x80  }
0x1f: {  	[sflag:s18] =	ssyncset.done $0x0  }
0x20: {  	s1 =	rddreg [dreg:$0x6];
	[sflag:s18] =	ssyncadd.s32 $0xFFFFFF80  }
0x21: {  	[tilespmem:s20], [sflag:$0x3] =	stream.linear.gather [hbm4b:s1+s2], $0x80, $0x38;
	[tilespmem:$0x10400] =	vst v63  }
0x22: {  	_ =	swait.ge [sflag:s18], $0x80  }
0x23: {  	[sflag:s18] =	ssyncset.done $0x0  }
0x24: {  	s1 =	rddreg [dreg:$0x7];
	[sflag:s18] =	ssyncadd.s32 $0xFFFFFF80  }
0x25: {  	[tilespmem:s21], [sflag:$0x3] =	stream.linear.gather [hbm4b:s1+s2], $0x80, $0x38;
	[tilespmem:$0x10400] =	vst v63  }
0x26: {  	_ =	swait.ge [sflag:s18], $0x80  }
0x27: {  	[sflag:s18] =	ssyncset.done $0x0  }
0x28: {  	[sflag:s18] =	ssyncadd.s32 $0xFFFFFF80  }
0x29: {  	[tilespmem:s22], [sflag:$0x3] =	stream.linear.gather [hbm4b:s5+s2], $0x80, $0x38;
	[tilespmem:$0x10400] =	vst v63  }
0x2a: {  	_ =	swait.ge [sflag:s18], $0x80  }
0x2b: {  	[sflag:s18] =	ssyncset.done $0x0  }
0x2c: {  	[sflag:s18] =	ssyncadd.s32 $0xFFFFFF80  }
0x2d: {  	[tilespmem:s23], [sflag:$0x3] =	stream.linear.gather [hbm4b:s6+s2], $0x80, $0x38;
	[tilespmem:$0x10400] =	vst v63  }
0x2e: {  	_ =	swait.ge [sflag:s18], $0x80  }
0x2f: {  	[sflag:s18] =	ssyncset.done $0x0  }
0x30: {  	[sflag:s18] =	ssyncadd.s32 $0xFFFFFF80  }
0x31: {  	[tilespmem:s24], [sflag:$0x3] =	stream.linear.gather [hbm4b:s7+s2], $0x80, $0x38;
	[tilespmem:$0x10400] =	vst v63  }
0x32: {  	_ =	swait.ge [sflag:s18], $0x80  }
0x33: {  	[sflag:s18] =	ssyncset.done $0x0  }
0x34: {  	[sflag:s18] =	ssyncadd.s32 $0xFFFFFF80  }
0x35: {  	[tilespmem:s25], [sflag:$0x3] =	stream.linear.gather [hbm4b:s8+s2], $0x80, $0x38;
	[tilespmem:$0x10400] =	vst v63  }
0x36: {  	_ =	swait.ge [sflag:s18], $0x80  }
0x37: {  	[sflag:s18] =	ssyncset.done $0x0  }
0x38: {  	[sflag:s18] =	ssyncadd.s32 $0xFFFFFF80  }
0x39: {  	v0 =	vld [tilespmem:$0x0]  }
0x3a: {  	v1 =	vld [tilespmem:$0x200]  }
0x3b: {  	v2 =	vld [tilespmem:$0x10]  }
0x3c: {  	v3 =	vld [tilespmem:$0x210]  }
0x3d: {  	v4 =	vld [tilespmem:$0x20]  }
0x3e: {  	v5 =	vld [tilespmem:$0x220];
	v0 =	vshra.s32 v0, $0x3  }
0x3f: {  	v57 =	vld [tilespmem:$0x30];
	v56 =	vshra.s32 v1, $0x3;
	[tilespmem:$0x0] =	vst v0  }
0x40: {  	v59 =	vld [tilespmem:$0x230];
	v58 =	vshra.s32 v2, $0x3;
	[tilespmem:$0x200] =	vst v56  }
0x41: {  	v61 =	vld [tilespmem:$0x40];
	v60 =	vshra.s32 v3, $0x3;
	[tilespmem:$0x10] =	vst v58  }
0x42: {  	v63 =	vld [tilespmem:$0x240];
	v62 =	vshra.s32 v4, $0x3;
	[tilespmem:$0x210] =	vst v60  }
0x43: {  	v9 =	vld [tilespmem:$0x50];
	v8 =	vshra.s32 v5, $0x3;
	[tilespmem:$0x20] =	vst v62  }
0x44: {  	v11 =	vld [tilespmem:$0x250];
	v10 =	vshra.s32 v57, $0x3;
	[tilespmem:$0x220] =	vst v8  }
0x45: {  	v13 =	vld [tilespmem:$0x60];
	v12 =	vshra.s32 v59, $0x3;
	[tilespmem:$0x30] =	vst v10  }
0x46: {  	v15 =	vld [tilespmem:$0x260];
	v14 =	vshra.s32 v61, $0x3;
	[tilespmem:$0x230] =	vst v12  }
0x47: {  	v17 =	vld [tilespmem:$0x70];
	v16 =	vshra.s32 v63, $0x3;
	[tilespmem:$0x40] =	vst v14  }
0x48: {  	v19 =	vld [tilespmem:$0x270];
	v18 =	vshra.s32 v9, $0x3;
	[tilespmem:$0x240] =	vst v16  }
0x49: {  	v21 =	vld [tilespmem:$0x80];
	v20 =	vshra.s32 v11, $0x3;
	[tilespmem:$0x50] =	vst v18  }
0x4a: {  	v23 =	vld [tilespmem:$0x280];
	v22 =	vshra.s32 v13, $0x3;
	[tilespmem:$0x250] =	vst v20  }
0x4b: {  	v25 =	vld [tilespmem:$0x90];
	v24 =	vshra.s32 v15, $0x3;
	[tilespmem:$0x60] =	vst v22  }
0x4c: {  	v27 =	vld [tilespmem:$0x290];
	v26 =	vshra.s32 v17, $0x3;
	[tilespmem:$0x260] =	vst v24  }
0x4d: {  	v29 =	vld [tilespmem:$0xA0];
	v28 =	vshra.s32 v19, $0x3;
	[tilespmem:$0x70] =	vst v26  }
0x4e: {  	v31 =	vld [tilespmem:$0x2A0];
	v30 =	vshra.s32 v21, $0x3;
	[tilespmem:$0x270] =	vst v28  }
0x4f: {  	v33 =	vld [tilespmem:$0xB0];
	v32 =	vshra.s32 v23, $0x3;
	[tilespmem:$0x80] =	vst v30  }
0x50: {  	v35 =	vld [tilespmem:$0x2B0];
	v34 =	vshra.s32 v25, $0x3;
	[tilespmem:$0x280] =	vst v32  }
0x51: {  	v37 =	vld [tilespmem:$0xC0];
	v36 =	vshra.s32 v27, $0x3;
	[tilespmem:$0x90] =	vst v34  }
0x52: {  	v39 =	vld [tilespmem:$0x2C0];
	v38 =	vshra.s32 v29, $0x3;
	[tilespmem:$0x290] =	vst v36  }
0x53: {  	v41 =	vld [tilespmem:$0xD0];
	v40 =	vshra.s32 v31, $0x3;
	[tilespmem:$0xA0] =	vst v38  }
0x54: {  	v43 =	vld [tilespmem:$0x2D0];
	v42 =	vshra.s32 v33, $0x3;
	[tilespmem:$0x2A0] =	vst v40  }
0x55: {  	v45 =	vld [tilespmem:$0xE0];
	v44 =	vshra.s32 v35, $0x3;
	[tilespmem:$0xB0] =	vst v42  }
0x56: {  	v55 =	vld [tilespmem:$0x300];
	v46 =	vshra.s32 v37, $0x3;
	[tilespmem:$0x2B0] =	vst v44  }
0x57: {  	v47 =	vld [tilespmem:$0x2E0];
	v48 =	vshra.s32 v39, $0x3;
	[tilespmem:$0xC0] =	vst v46  }
0x58: {  	v49 =	vld [tilespmem:$0xF0];
	v50 =	vshra.s32 v41, $0x3;
	[tilespmem:$0x2C0] =	vst v48  }
0x59: {  	v51 =	vld [tilespmem:$0x2F0];
	v52 =	vshra.s32 v43, $0x3;
	[tilespmem:$0xD0] =	vst v50  }
0x5a: {  	v53 =	vld [tilespmem:$0x100];
	v54 =	vshra.s32 v45, $0x3;
	[tilespmem:$0x2D0] =	vst v52  }
0x5b: {  	v57 =	vld [tilespmem:$0x110];
	v7 =	vshra.s32 v55, $0x3;
	[tilespmem:$0xE0] =	vst v54  }
0x5c: {  	v59 =	vld [tilespmem:$0x310];
	v56 =	vshra.s32 v47, $0x3;
	[tilespmem:$0x300] =	vst v7  }
0x5d: {  	v61 =	vld [tilespmem:$0x120];
	v58 =	vshra.s32 v49, $0x3;
	[tilespmem:$0x2E0] =	vst v56  }
0x5e: {  	v63 =	vld [tilespmem:$0x320];
	v60 =	vshra.s32 v51, $0x3;
	[tilespmem:$0xF0] =	vst v58  }
0x5f: {  	v62 =	vshra.s32 v53, $0x3;
	v8 =	vld [tilespmem:$0x130];
	[tilespmem:$0x2F0] =	vst v60  }
0x60: {  	v10 =	vld [tilespmem:$0x330];
	[tilespmem:$0x100] =	vst v62;
	v9 =	vshra.s32 v57, $0x3  }
0x61: {  	v12 =	vld [tilespmem:$0x140];
	v11 =	vshra.s32 v59, $0x3;
	[tilespmem:$0x110] =	vst v9  }
0x62: {  	v14 =	vld [tilespmem:$0x340];
	v13 =	vshra.s32 v61, $0x3;
	[tilespmem:$0x310] =	vst v11  }
0x63: {  	v16 =	vld [tilespmem:$0x150];
	v15 =	vshra.s32 v63, $0x3;
	[tilespmem:$0x120] =	vst v13  }
0x64: {  	v18 =	vld [tilespmem:$0x350];
	[tilespmem:$0x320] =	vst v15;
	v17 =	vshra.s32 v8, $0x3  }
0x65: {  	v20 =	vld [tilespmem:$0x160];
	v19 =	vshra.s32 v10, $0x3;
	[tilespmem:$0x130] =	vst v17  }
0x66: {  	v22 =	vld [tilespmem:$0x360];
	v21 =	vshra.s32 v12, $0x3;
	[tilespmem:$0x330] =	vst v19  }
0x67: {  	v24 =	vld [tilespmem:$0x170];
	v23 =	vshra.s32 v14, $0x3;
	[tilespmem:$0x140] =	vst v21  }
0x68: {  	v26 =	vld [tilespmem:$0x370];
	v25 =	vshra.s32 v16, $0x3;
	[tilespmem:$0x340] =	vst v23  }
0x69: {  	v28 =	vld [tilespmem:$0x180];
	v27 =	vshra.s32 v18, $0x3;
	[tilespmem:$0x150] =	vst v25  }
0x6a: {  	v30 =	vld [tilespmem:$0x380];
	v29 =	vshra.s32 v20, $0x3;
	[tilespmem:$0x350] =	vst v27  }
0x6b: {  	v32 =	vld [tilespmem:$0x190];
	v31 =	vshra.s32 v22, $0x3;
	[tilespmem:$0x160] =	vst v29  }
0x6c: {  	v34 =	vld [tilespmem:$0x390];
	v33 =	vshra.s32 v24, $0x3;
	[tilespmem:$0x360] =	vst v31  }
0x6d: {  	v36 =	vld [tilespmem:$0x1A0];
	v35 =	vshra.s32 v26, $0x3;
	[tilespmem:$0x170] =	vst v33  }
0x6e: {  	v38 =	vld [tilespmem:$0x3A0];
	v37 =	vshra.s32 v28, $0x3;
	[tilespmem:$0x370] =	vst v35  }
0x6f: {  	v40 =	vld [tilespmem:$0x1B0];
	v39 =	vshra.s32 v30, $0x3;
	[tilespmem:$0x180] =	vst v37  }
0x70: {  	v42 =	vld [tilespmem:$0x3B0];
	v41 =	vshra.s32 v32, $0x3;
	[tilespmem:$0x380] =	vst v39  }
0x71: {  	v44 =	vld [tilespmem:$0x1C0];
	v43 =	vshra.s32 v34, $0x3;
	[tilespmem:$0x190] =	vst v41  }
0x72: {  	v46 =	vld [tilespmem:$0x3C0];
	v45 =	vshra.s32 v36, $0x3;
	[tilespmem:$0x390] =	vst v43  }
0x73: {  	v48 =	vld [tilespmem:$0x1D0];
	v47 =	vshra.s32 v38, $0x3;
	[tilespmem:$0x1A0] =	vst v45  }
0x74: {  	v50 =	vld [tilespmem:$0x3D0];
	v49 =	vshra.s32 v40, $0x3;
	[tilespmem:$0x3A0] =	vst v47  }
0x75: {  	v52 =	vld [tilespmem:$0x1E0];
	v51 =	vshra.s32 v42, $0x3;
	[tilespmem:$0x1B0] =	vst v49  }
0x76: {  	v54 =	vld [tilespmem:$0x3E0];
	v53 =	vshra.s32 v44, $0x3;
	[tilespmem:$0x3B0] =	vst v51  }
0x77: {  	v56 =	vld [tilespmem:$0x1F0];
	v55 =	vshra.s32 v46, $0x3;
	[tilespmem:$0x1C0] =	vst v53  }
0x78: {  	v58 =	vld [tilespmem:$0x3F0];
	v57 =	vshra.s32 v48, $0x3;
	[tilespmem:$0x3C0] =	vst v55  }
0x79: {  	v59 =	vshra.s32 v50, $0x3;
	[tilespmem:$0x1D0] =	vst v57  }
0x7a: {  	v60 =	vshra.s32 v52, $0x3;
	[tilespmem:$0x3D0] =	vst v59  }
0x7b: {  	v61 =	vshra.s32 v54, $0x3;
	[tilespmem:$0x1E0] =	vst v60  }
0x7c: {  	[tilespmem:$0x3E0] =	vst v61;
	v62 =	vshra.s32 v56, $0x3  }
0x7d: {  	v63 =	vshra.s32 v58, $0x3;
	[tilespmem:$0x1F0] =	vst v62  }
0x7e: {  	[tilespmem:$0x3F0] =	vst v63  }
0x7f: {  	[tilespmem:s26], [sflag:$0x1] =	stream.indirect.gather [hbm4b:s3+s20], $0x80, s2, s20, $0xb8;
	[tilespmem:$0x10400] =	vst v63  }
0x80: {  	_ = 	snop  }
0x81: {  	[tilespmem:s28], [sflag:$0x2] =	stream.indirect.gather [hbm4b:s4+s20], $0x80, s19, s20, $0xb8;
	[tilespmem:$0x10400] =	vst v63  }
0x82: {  	_ = 	snop  }
0x83: {  	[tilespmem:s29], [sflag:$0x1] =	stream.indirect.gather [hbm4b:s3+s20], $0x80, s20, s20, $0xb8;
	[tilespmem:$0x10400] =	vst v63  }
0x84: {  	_ = 	snop  }
0x85: {  	[tilespmem:s30], [sflag:$0x2] =	stream.indirect.gather [hbm4b:s4+s20], $0x80, s21, s20, $0xb8;
	[tilespmem:$0x10400] =	vst v63  }
0x86: {  	_ =	swait.ge [sflag:s31], $0x4000  }
0x87: {  	[sflag:s31] =	ssyncset.done $0x0  }
0x88: {  	[sflag:s31] =	ssyncadd.s32 $0xFFFFC000  }
0x89: {  	_ =	swait.ge [sflag:s0], $0x4000  }
0x8a: {  	[sflag:s0] =	ssyncset.done $0x0  }
0x8b: {  	[sflag:s0] =	ssyncadd.s32 $0xFFFFC000  }
0x8c: {  	[hbm4b:s9+s2] =	stream.linear.scatter [tilespmem:s26], [sflag:$0x3], $0x4000, $0x38;
	[tilespmem:$0x10400] =	vst v63  }
0x8d: {  	_ =	swait.ge [sflag:s18], $0x4000  }
0x8e: {  	[sflag:s18] =	ssyncset.done $0x0  }
0x8f: {  	[sflag:s18] =	ssyncadd.s32 $0xFFFFC000  }
0x90: {  	[hbm4b:s10+s2] =	stream.linear.scatter [tilespmem:s28], [sflag:$0x3], $0x4000, $0x38;
	[tilespmem:$0x10400] =	vst v63  }
0x91: {  	_ =	swait.ge [sflag:s18], $0x4000  }
0x92: {  	[sflag:s18] =	ssyncset.done $0x0  }
0x93: {  	[sflag:s18] =	ssyncadd.s32 $0xFFFFC000  }
0x94: {  	[tilespmem:s26], [sflag:$0x1] =	stream.indirect.gather [hbm4b:s3+s20], $0x80, s22, s20, $0xb8;
	[tilespmem:$0x10400] =	vst v63  }
0x95: {  	_ = 	snop  }
0x96: {  	[tilespmem:s28], [sflag:$0x2] =	stream.indirect.gather [hbm4b:s4+s20], $0x80, s23, s20, $0xb8;
	[tilespmem:$0x10400] =	vst v63  }
0x97: {  	_ =	swait.ge [sflag:s31], $0x4000  }
0x98: {  	[sflag:s31] =	ssyncset.done $0x0  }
0x99: {  	[sflag:s31] =	ssyncadd.s32 $0xFFFFC000  }
0x9a: {  	_ =	swait.ge [sflag:s0], $0x4000  }
0x9b: {  	[sflag:s0] =	ssyncset.done $0x0  }
0x9c: {  	[sflag:s0] =	ssyncadd.s32 $0xFFFFC000  }
0x9d: {  	[hbm4b:s11+s2] =	stream.linear.scatter [tilespmem:s29], [sflag:$0x3], $0x4000, $0x38;
	[tilespmem:$0x10400] =	vst v63  }
0x9e: {  	_ =	swait.ge [sflag:s18], $0x4000  }
0x9f: {  	[sflag:s18] =	ssyncset.done $0x0  }
0xa0: {  	[sflag:s18] =	ssyncadd.s32 $0xFFFFC000  }
0xa1: {  	[hbm4b:s12+s2] =	stream.linear.scatter [tilespmem:s30], [sflag:$0x3], $0x4000, $0x38;
	[tilespmem:$0x10400] =	vst v63  }
0xa2: {  	_ =	swait.ge [sflag:s18], $0x4000  }
0xa3: {  	[sflag:s18] =	ssyncset.done $0x0  }
0xa4: {  	[sflag:s18] =	ssyncadd.s32 $0xFFFFC000  }
0xa5: {  	[tilespmem:s29], [sflag:$0x1] =	stream.indirect.gather [hbm4b:s3+s20], $0x80, s24, s20, $0xb8;
	[tilespmem:$0x10400] =	vst v63  }
0xa6: {  	_ = 	snop  }
0xa7: {  	[tilespmem:s30], [sflag:$0x2] =	stream.indirect.gather [hbm4b:s4+s20], $0x80, s25, s20, $0xb8;
	[tilespmem:$0x10400] =	vst v63  }
0xa8: {  	_ =	swait.ge [sflag:s31], $0x4000  }
0xa9: {  	[sflag:s31] =	ssyncset.done $0x0  }
0xaa: {  	[sflag:s31] =	ssyncadd.s32 $0xFFFFC000  }
0xab: {  	_ =	swait.ge [sflag:s0], $0x4000  }
0xac: {  	[sflag:s0] =	ssyncset.done $0x0  }
0xad: {  	[sflag:s0] =	ssyncadd.s32 $0xFFFFC000  }
0xae: {  	[hbm4b:s13+s2] =	stream.linear.scatter [tilespmem:s26], [sflag:$0x3], $0x4000, $0x38;
	[tilespmem:$0x10400] =	vst v63  }
0xaf: {  	_ =	swait.ge [sflag:s18], $0x4000  }
0xb0: {  	[sflag:s18] =	ssyncset.done $0x0  }
0xb1: {  	[sflag:s18] =	ssyncadd.s32 $0xFFFFC000  }
0xb2: {  	[hbm4b:s14+s2] =	stream.linear.scatter [tilespmem:s28], [sflag:$0x3], $0x4000, $0x38;
	[tilespmem:$0x10400] =	vst v63  }
0xb3: {  	_ =	swait.ge [sflag:s18], $0x4000  }
0xb4: {  	[sflag:s18] =	ssyncset.done $0x0  }
0xb5: {  	[sflag:s18] =	ssyncadd.s32 $0xFFFFC000  }
0xb6: {  	_ =	swait.ge [sflag:s31], $0x4000  }
0xb7: {  	[sflag:s31] =	ssyncset.done $0x0  }
0xb8: {  	[sflag:s31] =	ssyncadd.s32 $0xFFFFC000  }
0xb9: {  	_ =	swait.ge [sflag:s0], $0x4000  }
0xba: {  	[sflag:s0] =	ssyncset.done $0x0  }
0xbb: {  	[sflag:s0] =	ssyncadd.s32 $0xFFFFC000  }
0xbc: {  	[hbm4b:s15+s2] =	stream.linear.scatter [tilespmem:s29], [sflag:$0x3], $0x4000, $0x38;
	[tilespmem:$0x10400] =	vst v63  }
0xbd: {  	_ =	swait.ge [sflag:s18], $0x4000  }
0xbe: {  	p0 =	sne.s32 s17, $0x1;
	[sflag:s18] =	ssyncset.done $0x0  }
.Ltmp0:
0xbf: {  	[sflag:s18] =	ssyncadd.s32 $0xFFFFC000;
	(pc) =	sbr.rel @p0 .LBB2_1-.Ltmp0, $4  }
0xc0: {  	[hbm4b:s16+s2] =	stream.linear.scatter [tilespmem:s30], [sflag:$0x3], $0x4000, $0x38;
	[tilespmem:$0x10400] =	vst v63  }
0xc1: {  	_ =	swait.ge [sflag:s18], $0x4000  }
0xc2: {  	[sflag:s18] =	ssyncset.done $0x0  }
0xc3: {  	s17 =	sadd.s32 $0xFFFFFFFF, s17;
	[sflag:s18] =	ssyncadd.s32 $0xFFFFC000  }
0xc4: {  	_ =	sfence.sel $0x180000  }
0xc5: {  	[bflag:$0x0] =	sbarrier.arrive $0xFFFF  }
0xc6: {  	_ =	strace $0x90000047  }
0xc7: {  	s0 =	stileid.u32;
	[bflag:$0x2] =	sbarrier.arrive $0xFFFF  }
0xc8: {  	p0 =	sne.s32 s0, $0x0;
	s0 =	rddreg [dreg:$0x3]  }
0xc9: {  	s0 =	sadd.s32 @!p0 $0x100000, s0  }
0xca: {  	[sflag:s0] =	ssyncadd.tile.s32 @!p0 $0x1;
	_ =	shalt  }
.Lfunc_end2:
_tile_overlayer_lowered:
.L_overlay_start_2:
0xcb: {  	(tag) =	ssettag $0x2  }
0xcc: {  	s0 =	rddreg [dreg:$0x0];
	s2 =	stileid.u32  }
0xcd: {  	s1 =	rddreg [dreg:$0x1];
	p0 =	sne.s32 s2, $0x0  }
0xce: {  	s3 =	rddreg [dreg:$0x2];
	[bflag:$0x3] =	sbarrier.arrive $0xFFFF;
	s2 =	simm.s32 @!p0 $0x1C03  }
0xcf: {  	[timem:s3], [sflag:s2] =	dma.local @!p0 [hbm:s0], s1  }
0xd0: {  	s0 =	simm.s32 @!p0 $0x3  }
0xd1: {  	_ =	swait.ge @!p0 [sflag:s0], s1  }
0xd2: {  	s1 =	ssub.s32 @!p0 $0x0, s1;
	[sflag:s0] =	ssyncset.done @!p0 $0x0  }
0xd3: {  	[sflag:s0] =	ssyncadd.s32 @!p0 s1  }
0xd4: {  	[bflag:$0x3] =	sbarrier.arrive $0xFFFF  }
0xd5: {  	_ =	shalt  }

</sc_bundles>
